<compile_context>
chip_gen: v7x
topology: tpu7x:2x2x1
jax: 0.10.2.dev20260603
libtpu: 0.0.44.dev20260713+nightly
codegen_flags: <defaults>
</compile_context>

<pallas_src>
import functools

import jax
import jax.numpy as jnp
from jax import lax
from jax.experimental import pallas as pl
from jax.experimental.pallas import tpu as pltpu
from jax.experimental.pallas import tpu_sc as plsc

N_NODES = 10000
N_EDGES = 320000
D_FEAT = 128
D_DEG = 16

NUM_CORES = 2
NUM_SUBCORES = 16
NUM_WORKERS = NUM_CORES * NUM_SUBCORES
EDGES_PER_WORKER = N_EDGES // NUM_WORKERS
CHUNK = 80
NUM_CHUNKS = EDGES_PER_WORKER // CHUNK
ROWS_PER_TILE = N_NODES // NUM_SUBCORES


def _sc_body(feat_hbm, src_hbm, dst_hbm, zf_hbm, zd_hbm, outf_hbm, outd_hbm,
             accf_sh, accd_sh, src_v, dst_v, rows0, rows1, ones_v,
             g0, g1, sd, sf, zs):
    cid = lax.axis_index("c")
    sid = lax.axis_index("s")
    wid = cid * NUM_SUBCORES + sid
    row0 = sid * ROWS_PER_TILE

    pltpu.async_copy(zf_hbm, accf_sh.at[pl.ds(row0, ROWS_PER_TILE)], zs)
    pltpu.async_copy(zd_hbm, accd_sh.at[pl.ds(row0, ROWS_PER_TILE)], zs)

    ovec = jnp.ones((2, 16), jnp.bfloat16)

    def _orow(i, _):
        ones_v[pl.ds(2 * i, 2), :] = ovec
        return 0

    lax.fori_loop(0, CHUNK // 2, _orow, 0)

    pltpu.sync_copy(src_hbm.at[wid], src_v)
    pltpu.sync_copy(dst_hbm.at[wid], dst_v)

    pltpu.make_async_copy(zf_hbm, accf_sh.at[pl.ds(row0, ROWS_PER_TILE)], zs).wait()
    pltpu.make_async_copy(zd_hbm, accd_sh.at[pl.ds(row0, ROWS_PER_TILE)], zs).wait()

    plsc.subcore_barrier()

    pltpu.async_copy(feat_hbm.at[src_v.at[0]], rows0, g0)
    pltpu.async_copy(feat_hbm.at[src_v.at[1]], rows1, g1)

    def _step(i, _):
        j = 2 * i
        pltpu.make_async_copy(feat_hbm.at[src_v.at[j]], rows0, g0).wait()
        pltpu.async_copy(rows0, accf_sh.at[dst_v.at[j]], sf, add=True)

        @pl.when(i > 0)
        def _():
            pltpu.make_async_copy(ones_v, accd_sh.at[dst_v.at[0]], sd).wait()

        pltpu.async_copy(ones_v, accd_sh.at[dst_v.at[j]], sd, add=True)
        pltpu.make_async_copy(rows0, accf_sh.at[dst_v.at[j]], sf).wait()

        @pl.when(i < NUM_CHUNKS // 2 - 1)
        def _():
            pltpu.async_copy(feat_hbm.at[src_v.at[j + 2]], rows0, g0)

        pltpu.make_async_copy(feat_hbm.at[src_v.at[j + 1]], rows1, g1).wait()
        pltpu.async_copy(rows1, accf_sh.at[dst_v.at[j + 1]], sf, add=True)
        pltpu.make_async_copy(ones_v, accd_sh.at[dst_v.at[0]], sd).wait()
        pltpu.async_copy(ones_v, accd_sh.at[dst_v.at[j + 1]], sd, add=True)
        pltpu.make_async_copy(rows1, accf_sh.at[dst_v.at[j + 1]], sf).wait()

        @pl.when(i < NUM_CHUNKS // 2 - 1)
        def _():
            pltpu.async_copy(feat_hbm.at[src_v.at[j + 3]], rows1, g1)

        return 0

    lax.fori_loop(0, NUM_CHUNKS // 2, _step, 0)

    if NUM_CHUNKS % 2:
        last = NUM_CHUNKS - 1
        pltpu.async_copy(feat_hbm.at[src_v.at[last]], rows0, g0)
        pltpu.make_async_copy(feat_hbm.at[src_v.at[last]], rows0, g0).wait()
        pltpu.async_copy(rows0, accf_sh.at[dst_v.at[last]], sf, add=True)
        pltpu.make_async_copy(ones_v, accd_sh.at[dst_v.at[0]], sd).wait()
        pltpu.async_copy(ones_v, accd_sh.at[dst_v.at[last]], sd, add=True)
        pltpu.make_async_copy(rows0, accf_sh.at[dst_v.at[last]], sf).wait()

    pltpu.make_async_copy(ones_v, accd_sh.at[dst_v.at[0]], sd).wait()

    plsc.subcore_barrier()

    out_base = cid * N_NODES + sid * ROWS_PER_TILE
    pltpu.sync_copy(accf_sh.at[pl.ds(row0, ROWS_PER_TILE)],
                    outf_hbm.at[pl.ds(out_base, ROWS_PER_TILE)])
    pltpu.sync_copy(accd_sh.at[pl.ds(row0, ROWS_PER_TILE)],
                    outd_hbm.at[pl.ds(out_base, ROWS_PER_TILE)])


@functools.lru_cache(maxsize=1)
def _sc_agg():
    return functools.partial(
        pl.kernel,
        out_type=(
            jax.ShapeDtypeStruct((NUM_CORES * N_NODES, D_FEAT), jnp.float32),
            jax.ShapeDtypeStruct((NUM_CORES * N_NODES, D_DEG), jnp.bfloat16),
        ),
        mesh=plsc.VectorSubcoreMesh(core_axis_name="c", subcore_axis_name="s"),
        scratch_types=[
            pltpu.VMEM_SHARED((N_NODES, D_FEAT), jnp.float32),
            pltpu.VMEM_SHARED((N_NODES, D_DEG), jnp.bfloat16),
            pltpu.VMEM((NUM_CHUNKS, CHUNK), jnp.int32),
            pltpu.VMEM((NUM_CHUNKS, CHUNK), jnp.int32),
            pltpu.VMEM((CHUNK, D_FEAT), jnp.float32),
            pltpu.VMEM((CHUNK, D_FEAT), jnp.float32),
            pltpu.VMEM((CHUNK, D_DEG), jnp.bfloat16),
            pltpu.SemaphoreType.DMA,
            pltpu.SemaphoreType.DMA,
            pltpu.SemaphoreType.DMA,
            pltpu.SemaphoreType.DMA,
            pltpu.SemaphoreType.DMA,
        ],
        compiler_params=pltpu.CompilerParams(use_tc_tiling_on_sc=False),
    )(_sc_body)


def _tc_body(pf_ref, pd_ref, f_ref, w_ref, b_ref, o_ref):
    feat_sum = pf_ref[0] + pf_ref[1]
    deg = (pd_ref[0, :, :1].astype(jnp.float32)
           + pd_ref[1, :, :1].astype(jnp.float32))
    mean = feat_sum / jnp.maximum(deg, 1.0)
    h = jnp.where(deg > 0.0, mean, f_ref[...])
    y = lax.dot_general(h, w_ref[...], (((1,), (1,)), ((), ())),
                        preferred_element_type=jnp.float32)
    o_ref[...] = jnp.maximum(y + b_ref[...], 0.0)


_BR = 1000


def _tc_finish(pfeat, pdeg, features, wt, b2):
    grid = (N_NODES // _BR,)
    return pl.pallas_call(
        _tc_body,
        grid=grid,
        in_specs=[
            pl.BlockSpec((NUM_CORES, _BR, D_FEAT), lambda i: (0, i, 0)),
            pl.BlockSpec((NUM_CORES, _BR, D_DEG), lambda i: (0, i, 0)),
            pl.BlockSpec((_BR, D_FEAT), lambda i: (i, 0)),
            pl.BlockSpec((D_FEAT, D_FEAT), lambda i: (0, 0)),
            pl.BlockSpec((1, D_FEAT), lambda i: (0, 0)),
        ],
        out_specs=pl.BlockSpec((_BR, D_FEAT), lambda i: (i, 0)),
        out_shape=jax.ShapeDtypeStruct((N_NODES, D_FEAT), jnp.float32),
    )(pfeat, pdeg, features, wt, b2)


def kernel(features, edge_index, W, b):
    src = edge_index[0].astype(jnp.int32).reshape(NUM_WORKERS, NUM_CHUNKS, CHUNK)
    dst = edge_index[1].astype(jnp.int32).reshape(NUM_WORKERS, NUM_CHUNKS, CHUNK)
    zf = jnp.zeros((ROWS_PER_TILE, D_FEAT), jnp.float32)
    zd = jnp.zeros((ROWS_PER_TILE, D_DEG), jnp.bfloat16)
    pfeat, pdeg = _sc_agg()(features, src, dst, zf, zd)
    pfeat = pfeat.reshape(NUM_CORES, N_NODES, D_FEAT)
    pdeg = pdeg.reshape(NUM_CORES, N_NODES, D_DEG)
    return _tc_finish(pfeat, pdeg, features, W, b.reshape(1, D_FEAT))

# --- scband reference (transcript-rebuilt; emitter-appended) ---
"""Pipeline reference for scband-graph-conv-layer-35107062678349 (READ-ONLY COPY).

The authoritative reference and input builder live on the scoring server;
editing this copy changes nothing except your own understanding.
"""

import jax, jax.numpy as jnp
import numpy as np

N_NODES = 10000
N_EDGES = 320000
D_FEAT = 128


def setup_inputs(seed: int = 0) -> dict:
    key = jax.random.key(seed)
    k1, k2, k3 = jax.random.split(key, 3)
    features = jax.random.normal(k1, (N_NODES, D_FEAT), dtype=jnp.float32)
    edge_index = jax.random.randint(k2, (2, N_EDGES), 0, N_NODES, dtype=jnp.int64)
    # Learned params of nn.Linear(n_inputs=128, n_outputs=128)
    W = jax.random.normal(k3, (D_FEAT, D_FEAT), dtype=jnp.float32) * 0.05
    b = jnp.zeros((D_FEAT,), dtype=jnp.float32)
    return {"features": features, "edge_index": edge_index, "W": W, "b": b}


def reference(features, edge_index, W, b):
    # message: m = src['h'] ; reduce: mean over mailbox ; node_update: relu(Linear(h))
    src = edge_index[0]
    dst = edge_index[1]
    msgs = jnp.take(features, src, axis=0)  # gather src features along edges
    summed = jax.ops.segment_sum(msgs, dst, num_segments=N_NODES)
    deg = jax.ops.segment_sum(jnp.ones((msgs.shape[0],), dtype=jnp.float32), dst, num_segments=N_NODES)
    mean_agg = summed / jnp.maximum(deg, 1.0)[:, None]
    # DGL UDF semantics: zero in-degree nodes are not updated by update_all -> keep original h
    h = jnp.where((deg > 0)[:, None], mean_agg, features)
    out = jax.nn.relu(h @ W.T + b)
    return out

if __name__ == "__main__":
    import jax
    _d = setup_inputs()
    print(jax.jit(kernel)(*tuple(_d.values())))

</pallas_src>

<mosaic_0001>
#map = affine_map<(d0, d1) -> (0, 0)>
#map1 = affine_map<(d0, d1) -> (0, 0, 0)>
module attributes {stable_mosaic.version = 14 : i64} {
  func.func @_sc_body(%arg0: i32, %arg1: i32, %arg2: memref<10000x128xf32, #tpu.memory_space<hbm>>, %arg3: memref<32x125x80xi32, #tpu.memory_space<hbm>>, %arg4: memref<32x125x80xi32, #tpu.memory_space<hbm>>, %arg5: memref<625x128xf32, #tpu.memory_space<hbm>>, %arg6: memref<625x16xbf16, #tpu.memory_space<hbm>>, %arg7: memref<20000x128xf32, #tpu.memory_space<hbm>>, %arg8: memref<20000x16xbf16, #tpu.memory_space<hbm>>, %arg9: memref<10000x128xf32, #tpu.memory_space<vmem_shared>>, %arg10: memref<10000x16xbf16, #tpu.memory_space<vmem_shared>>, %arg11: memref<125x80xi32, #tpu.memory_space<vmem>>, %arg12: memref<125x80xi32, #tpu.memory_space<vmem>>, %arg13: memref<80x128xf32, #tpu.memory_space<vmem>>, %arg14: memref<80x128xf32, #tpu.memory_space<vmem>>, %arg15: memref<80x16xbf16, #tpu.memory_space<vmem>>, %arg16: memref<!tpu.dma_semaphore, #tpu.memory_space<semaphore_mem>>, %arg17: memref<!tpu.dma_semaphore, #tpu.memory_space<semaphore_mem>>, %arg18: memref<!tpu.dma_semaphore, #tpu.memory_space<semaphore_mem>>, %arg19: memref<!tpu.dma_semaphore, #tpu.memory_space<semaphore_mem>>, %arg20: memref<!tpu.dma_semaphore, #tpu.memory_space<semaphore_mem>>) attributes {dimension_semantics = [#tpu.dimension_semantics<core_parallel>, #tpu.dimension_semantics<subcore_parallel>], iteration_bounds = array<i64: 2, 16>, scalar_prefetch = 0 : i64, scratch_operands = 12 : i64, tpu.core_type = #tpu.core_type<sc_vector_subcore>, window_params = [{transform_indices = #map}, {transform_indices = #map1}, {transform_indices = #map1}, {transform_indices = #map}, {transform_indices = #map}, {transform_indices = #map}, {transform_indices = #map}]} {
    %mul3A = arith.constant 16 : i32
    %mul3A_0 = arith.muli %arg0, %mul3A : i32
    %add3A = arith.addi %mul3A_0, %arg1 : i32
    %mul3A_1 = arith.constant 625 : i32
    %mul3A_2 = arith.muli %arg1, %mul3A_1 : i32
    %dma_start3A = arith.constant 0 : i32
    %dma_start3A_3 = tpu.memref_slice %arg9[%mul3A_2, %dma_start3A] : memref<10000x128xf32, #tpu.memory_space<vmem_shared>> -> memref<625x128xf32, #tpu.memory_space<vmem_shared>>
    tpu.enqueue_dma source(%arg5 : memref<625x128xf32, #tpu.memory_space<hbm>>) target(%dma_start3A_3 : memref<625x128xf32, #tpu.memory_space<vmem_shared>>) target_semaphore(%arg20 : memref<!tpu.dma_semaphore, #tpu.memory_space<semaphore_mem>>)
    %dma_start3A_4 = arith.constant 0 : i32
    %dma_start3A_5 = tpu.memref_slice %arg10[%mul3A_2, %dma_start3A_4] : memref<10000x16xbf16, #tpu.memory_space<vmem_shared>> -> memref<625x16xbf16, #tpu.memory_space<vmem_shared>>
    tpu.enqueue_dma source(%arg6 : memref<625x16xbf16, #tpu.memory_space<hbm>>) target(%dma_start3A_5 : memref<625x16xbf16, #tpu.memory_space<vmem_shared>>) target_semaphore(%arg20 : memref<!tpu.dma_semaphore, #tpu.memory_space<semaphore_mem>>)
    %broadcast_in_dim3A = arith.constant 1.000000e+00 : bf16
    %broadcast_in_dim3A_6 = vector.broadcast %broadcast_in_dim3A : bf16 to vector<2x16xbf16>
    %scan3A = arith.constant 0 : i32
    %scan3A_7 = arith.constant 0 : i32
    %scan3A_8 = arith.constant 40 : i32
    %scan3A_9 = arith.addi %scan3A_7, %scan3A_8 : i32
    %scan3A_10 = arith.constant 1 : i32
    %scan3A_11 = scf.for %scan3A_92 = %scan3A_7 to %scan3A_9 step %scan3A_10 iter_args(%scan3A_93 = %scan3A) -> (i32)  : i32 {
      %mul3A_94 = arith.constant 2 : i32
      %mul3A_95 = arith.muli %mul3A_94, %scan3A_92 : i32
      %swap3A = arith.index_cast %mul3A_95 : i32 to index
      %swap3A_96 = arith.constant 0 : index
      %swap3A_97 = tpu.vector_load %arg15[%swap3A, %swap3A_96] {strides = array<i32>} : memref<80x16xbf16, #tpu.memory_space<vmem>>, vector<2x16xbf16>,
      %swap3A_98 = vector.shape_cast %swap3A_97 : vector<2x16xbf16> to vector<2x16xbf16>
      %swap3A_99 = vector.shape_cast %broadcast_in_dim3A_6 : vector<2x16xbf16> to vector<2x16xbf16>
      tpu.vector_store %arg15[%swap3A, %swap3A_96], %swap3A_99 {strides = array<i32>} : memref<80x16xbf16, #tpu.memory_space<vmem>>, vector<2x16xbf16>,
      %scan3A_100 = arith.constant 0 : i32
      scf.yield %scan3A_100 : i32
    }
    %scan3A_12 = arith.constant 40 : i32
    "tpu.region"() ({
      %run_scoped3A = tpu.sem_alloc : memref<!tpu.dma_semaphore, #tpu.memory_space<semaphore_mem>>
      %dma_start3A_92 = arith.constant 0 : i32
      %dma_start3A_93 = arith.constant 0 : i32
      %dma_start3A_94 = tpu.memref_slice %arg3[%add3A, %dma_start3A_92, %dma_start3A_93] : memref<32x125x80xi32, #tpu.memory_space<hbm>> -> memref<1x125x80xi32, #tpu.memory_space<hbm>>
      %dma_start3A_95 = tpu.memref_squeeze %dma_start3A_94 : memref<1x125x80xi32, #tpu.memory_space<hbm>> -> memref<125x80xi32, #tpu.memory_space<hbm>>
      %dma_start3A_96 = arith.constant 0 : i32
      %dma_start3A_97 = arith.constant 0 : i32
      %dma_start3A_98 = tpu.memref_slice %arg3[%add3A, %dma_start3A_96, %dma_start3A_97] : memref<32x125x80xi32, #tpu.memory_space<hbm>> -> memref<1x125x80xi32, #tpu.memory_space<hbm>>
      %dma_start3A_99 = tpu.memref_squeeze %dma_start3A_98 : memref<1x125x80xi32, #tpu.memory_space<hbm>> -> memref<125x80xi32, #tpu.memory_space<hbm>>
      tpu.enqueue_dma source(%dma_start3A_99 : memref<125x80xi32, #tpu.memory_space<hbm>>) target(%arg11 : memref<125x80xi32, #tpu.memory_space<vmem>>) target_semaphore(%run_scoped3A : memref<!tpu.dma_semaphore, #tpu.memory_space<semaphore_mem>>)
      %dma_wait3A_100 = arith.constant 0 : i32
      %dma_wait3A_101 = arith.constant 0 : i32
      %dma_wait3A_102 = tpu.memref_slice %arg3[%add3A, %dma_wait3A_100, %dma_wait3A_101] : memref<32x125x80xi32, #tpu.memory_space<hbm>> -> memref<1x125x80xi32, #tpu.memory_space<hbm>>
      %dma_wait3A_103 = tpu.memref_squeeze %dma_wait3A_102 : memref<1x125x80xi32, #tpu.memory_space<hbm>> -> memref<125x80xi32, #tpu.memory_space<hbm>>
      %dma_wait3A_104 = arith.constant 0 : i32
      %dma_wait3A_105 = arith.constant 0 : i32
      %dma_wait3A_106 = tpu.memref_slice %arg3[%add3A, %dma_wait3A_104, %dma_wait3A_105] : memref<32x125x80xi32, #tpu.memory_space<hbm>> -> memref<1x125x80xi32, #tpu.memory_space<hbm>>
      %dma_wait3A_107 = tpu.memref_squeeze %dma_wait3A_106 : memref<1x125x80xi32, #tpu.memory_space<hbm>> -> memref<125x80xi32, #tpu.memory_space<hbm>>
      tpu.wait_dma2 semaphore(%run_scoped3A : memref<!tpu.dma_semaphore, #tpu.memory_space<semaphore_mem>>) src(%dma_wait3A_107 : memref<125x80xi32, #tpu.memory_space<hbm>>) dst(%arg11 : memref<125x80xi32, #tpu.memory_space<vmem>>)
      tpu.yield
    }) : () -> ()
    "tpu.region"() ({
      %run_scoped3A = tpu.sem_alloc : memref<!tpu.dma_semaphore, #tpu.memory_space<semaphore_mem>>
      %dma_start3A_92 = arith.constant 0 : i32
      %dma_start3A_93 = arith.constant 0 : i32
      %dma_start3A_94 = tpu.memref_slice %arg4[%add3A, %dma_start3A_92, %dma_start3A_93] : memref<32x125x80xi32, #tpu.memory_space<hbm>> -> memref<1x125x80xi32, #tpu.memory_space<hbm>>
      %dma_start3A_95 = tpu.memref_squeeze %dma_start3A_94 : memref<1x125x80xi32, #tpu.memory_space<hbm>> -> memref<125x80xi32, #tpu.memory_space<hbm>>
      %dma_start3A_96 = arith.constant 0 : i32
      %dma_start3A_97 = arith.constant 0 : i32
      %dma_start3A_98 = tpu.memref_slice %arg4[%add3A, %dma_start3A_96, %dma_start3A_97] : memref<32x125x80xi32, #tpu.memory_space<hbm>> -> memref<1x125x80xi32, #tpu.memory_space<hbm>>
      %dma_start3A_99 = tpu.memref_squeeze %dma_start3A_98 : memref<1x125x80xi32, #tpu.memory_space<hbm>> -> memref<125x80xi32, #tpu.memory_space<hbm>>
      tpu.enqueue_dma source(%dma_start3A_99 : memref<125x80xi32, #tpu.memory_space<hbm>>) target(%arg12 : memref<125x80xi32, #tpu.memory_space<vmem>>) target_semaphore(%run_scoped3A : memref<!tpu.dma_semaphore, #tpu.memory_space<semaphore_mem>>)
      %dma_wait3A_100 = arith.constant 0 : i32
      %dma_wait3A_101 = arith.constant 0 : i32
      %dma_wait3A_102 = tpu.memref_slice %arg4[%add3A, %dma_wait3A_100, %dma_wait3A_101] : memref<32x125x80xi32, #tpu.memory_space<hbm>> -> memref<1x125x80xi32, #tpu.memory_space<hbm>>
      %dma_wait3A_103 = tpu.memref_squeeze %dma_wait3A_102 : memref<1x125x80xi32, #tpu.memory_space<hbm>> -> memref<125x80xi32, #tpu.memory_space<hbm>>
      %dma_wait3A_104 = arith.constant 0 : i32
      %dma_wait3A_105 = arith.constant 0 : i32
      %dma_wait3A_106 = tpu.memref_slice %arg4[%add3A, %dma_wait3A_104, %dma_wait3A_105] : memref<32x125x80xi32, #tpu.memory_space<hbm>> -> memref<1x125x80xi32, #tpu.memory_space<hbm>>
      %dma_wait3A_107 = tpu.memref_squeeze %dma_wait3A_106 : memref<1x125x80xi32, #tpu.memory_space<hbm>> -> memref<125x80xi32, #tpu.memory_space<hbm>>
      tpu.wait_dma2 semaphore(%run_scoped3A : memref<!tpu.dma_semaphore, #tpu.memory_space<semaphore_mem>>) src(%dma_wait3A_107 : memref<125x80xi32, #tpu.memory_space<hbm>>) dst(%arg12 : memref<125x80xi32, #tpu.memory_space<vmem>>)
      tpu.yield
    }) : () -> ()
    %dma_wait3A = arith.constant 0 : i32
    %dma_wait3A_13 = tpu.memref_slice %arg9[%mul3A_2, %dma_wait3A] : memref<10000x128xf32, #tpu.memory_space<vmem_shared>> -> memref<625x128xf32, #tpu.memory_space<vmem_shared>>
    tpu.wait_dma2 semaphore(%arg20 : memref<!tpu.dma_semaphore, #tpu.memory_space<semaphore_mem>>) src(%arg5 : memref<625x128xf32, #tpu.memory_space<hbm>>) dst(%dma_wait3A_13 : memref<625x128xf32, #tpu.memory_space<vmem_shared>>)
    %dma_wait3A_14 = arith.constant 0 : i32
    %dma_wait3A_15 = tpu.memref_slice %arg10[%mul3A_2, %dma_wait3A_14] : memref<10000x16xbf16, #tpu.memory_space<vmem_shared>> -> memref<625x16xbf16, #tpu.memory_space<vmem_shared>>
    tpu.wait_dma2 semaphore(%arg20 : memref<!tpu.dma_semaphore, #tpu.memory_space<semaphore_mem>>) src(%arg6 : memref<625x16xbf16, #tpu.memory_space<hbm>>) dst(%dma_wait3A_15 : memref<625x16xbf16, #tpu.memory_space<vmem_shared>>)
    %barrier3A = arith.constant 0 : index
    tpu.barrier barrier_id(%barrier3A)
    %dma_start3A_16 = arith.constant 0 : i32
    %dma_start3A_17 = arith.constant 0 : i32
    %dma_start3A_18 = tpu.memref_slice %arg11[%dma_start3A_16, %dma_start3A_17] : memref<125x80xi32, #tpu.memory_space<vmem>> -> memref<1x80xi32, #tpu.memory_space<vmem>>
    %dma_start3A_19 = tpu.memref_squeeze %dma_start3A_18 : memref<1x80xi32, #tpu.memory_space<vmem>> -> memref<80xi32, #tpu.memory_space<vmem>>
    %dma_start3A_20 = arith.constant 0 : i32
    %dma_start3A_21 = arith.constant 0 : i32
    %dma_start3A_22 = tpu.memref_slice %arg2[%dma_start3A_20, %dma_start3A_21] : memref<10000x128xf32, #tpu.memory_space<hbm>> -> memref<10000x128xf32, #tpu.memory_space<hbm>>
    tpu.enqueue_indirect_dma source(%dma_start3A_22 : memref<10000x128xf32, #tpu.memory_space<hbm>>) target(%arg13 : memref<80x128xf32, #tpu.memory_space<vmem>>) offsets(%dma_start3A_19 : memref<80xi32, #tpu.memory_space<vmem>>) semaphore(%arg16 : memref<!tpu.dma_semaphore, #tpu.memory_space<semaphore_mem>>)
    %dma_start3A_23 = arith.constant 1 : i32
    %dma_start3A_24 = arith.constant 0 : i32
    %dma_start3A_25 = tpu.memref_slice %arg11[%dma_start3A_23, %dma_start3A_24] : memref<125x80xi32, #tpu.memory_space<vmem>> -> memref<1x80xi32, #tpu.memory_space<vmem>>
    %dma_start3A_26 = tpu.memref_squeeze %dma_start3A_25 : memref<1x80xi32, #tpu.memory_space<vmem>> -> memref<80xi32, #tpu.memory_space<vmem>>
    %dma_start3A_27 = arith.constant 0 : i32
    %dma_start3A_28 = arith.constant 0 : i32
    %dma_start3A_29 = tpu.memref_slice %arg2[%dma_start3A_27, %dma_start3A_28] : memref<10000x128xf32, #tpu.memory_space<hbm>> -> memref<10000x128xf32, #tpu.memory_space<hbm>>
    tpu.enqueue_indirect_dma source(%dma_start3A_29 : memref<10000x128xf32, #tpu.memory_space<hbm>>) target(%arg14 : memref<80x128xf32, #tpu.memory_space<vmem>>) offsets(%dma_start3A_26 : memref<80xi32, #tpu.memory_space<vmem>>) semaphore(%arg17 : memref<!tpu.dma_semaphore, #tpu.memory_space<semaphore_mem>>)
    %scan3A_30 = arith.constant 0 : i32
    %scan3A_31 = arith.constant 0 : i32
    %scan3A_32 = arith.constant 62 : i32
    %scan3A_33 = arith.addi %scan3A_31, %scan3A_32 : i32
    %scan3A_34 = arith.constant 1 : i32
    %scan3A_35 = scf.for %scan3A_92 = %scan3A_31 to %scan3A_33 step %scan3A_34 iter_args(%scan3A_93 = %scan3A_30) -> (i32)  : i32 {
      %mul3A_94 = arith.constant 2 : i32
      %mul3A_95 = arith.muli %mul3A_94, %scan3A_92 : i32
      %dma_wait3A_96 = arith.constant 0 : i32
      %dma_wait3A_97 = tpu.memref_slice %arg11[%mul3A_95, %dma_wait3A_96] : memref<125x80xi32, #tpu.memory_space<vmem>> -> memref<1x80xi32, #tpu.memory_space<vmem>>
      %dma_wait3A_98 = tpu.memref_squeeze %dma_wait3A_97 : memref<1x80xi32, #tpu.memory_space<vmem>> -> memref<80xi32, #tpu.memory_space<vmem>>
      %dma_wait3A_99 = arith.constant 0 : i32
      %dma_wait3A_100 = arith.constant 0 : i32
      %dma_wait3A_101 = tpu.memref_slice %arg2[%dma_wait3A_99, %dma_wait3A_100] : memref<10000x128xf32, #tpu.memory_space<hbm>> -> memref<10000x128xf32, #tpu.memory_space<hbm>>
      tpu.wait_indirect_dma semaphore(%arg16 : memref<!tpu.dma_semaphore, #tpu.memory_space<semaphore_mem>>) src(%dma_wait3A_101 : memref<10000x128xf32, #tpu.memory_space<hbm>>) dst(%arg13 : memref<80x128xf32, #tpu.memory_space<vmem>>)
      %dma_start3A_102 = arith.constant 0 : i32
      %dma_start3A_103 = tpu.memref_slice %arg12[%mul3A_95, %dma_start3A_102] : memref<125x80xi32, #tpu.memory_space<vmem>> -> memref<1x80xi32, #tpu.memory_space<vmem>>
      %dma_start3A_104 = tpu.memref_squeeze %dma_start3A_103 : memref<1x80xi32, #tpu.memory_space<vmem>> -> memref<80xi32, #tpu.memory_space<vmem>>
      %dma_start3A_105 = arith.constant 0 : i32
      %dma_start3A_106 = arith.constant 0 : i32
      %dma_start3A_107 = tpu.memref_slice %arg9[%dma_start3A_105, %dma_start3A_106] : memref<10000x128xf32, #tpu.memory_space<vmem_shared>> -> memref<10000x128xf32, #tpu.memory_space<vmem_shared>>
      tpu.enqueue_indirect_dma source(%arg13 : memref<80x128xf32, #tpu.memory_space<vmem>>) target(%dma_start3A_107 : memref<10000x128xf32, #tpu.memory_space<vmem_shared>>) offsets(%dma_start3A_104 : memref<80xi32, #tpu.memory_space<vmem>>) semaphore(%arg19 : memref<!tpu.dma_semaphore, #tpu.memory_space<semaphore_mem>>) {add = true}
      %gt3A = arith.constant 0 : i32
      %gt3A_108 = arith.cmpi sgt, %scan3A_92, %gt3A : i32
      %convert_element_type3A = arith.extui %gt3A_108 : i1 to i32
      %cond3A = arith.constant 0 : i32
      %cond3A_109 = arith.cmpi ne, %convert_element_type3A, %cond3A : i32
      scf.if %cond3A_109 {
        %dma_wait3A_171 = arith.constant 0 : i32
        %dma_wait3A_172 = arith.constant 0 : i32
        %dma_wait3A_173 = tpu.memref_slice %arg12[%dma_wait3A_171, %dma_wait3A_172] : memref<125x80xi32, #tpu.memory_space<vmem>> -> memref<1x80xi32, #tpu.memory_space<vmem>>
        %dma_wait3A_174 = tpu.memref_squeeze %dma_wait3A_173 : memref<1x80xi32, #tpu.memory_space<vmem>> -> memref<80xi32, #tpu.memory_space<vmem>>
        %dma_wait3A_175 = arith.constant 0 : i32
        %dma_wait3A_176 = arith.constant 0 : i32
        %dma_wait3A_177 = tpu.memref_slice %arg10[%dma_wait3A_175, %dma_wait3A_176] : memref<10000x16xbf16, #tpu.memory_space<vmem_shared>> -> memref<10000x16xbf16, #tpu.memory_space<vmem_shared>>
        tpu.wait_indirect_dma semaphore(%arg18 : memref<!tpu.dma_semaphore, #tpu.memory_space<semaphore_mem>>) src(%arg15 : memref<80x16xbf16, #tpu.memory_space<vmem>>) dst(%dma_wait3A_177 : memref<10000x16xbf16, #tpu.memory_space<vmem_shared>>)
      } else {
      }
      %dma_start3A_110 = arith.constant 0 : i32
      %dma_start3A_111 = tpu.memref_slice %arg12[%mul3A_95, %dma_start3A_110] : memref<125x80xi32, #tpu.memory_space<vmem>> -> memref<1x80xi32, #tpu.memory_space<vmem>>
      %dma_start3A_112 = tpu.memref_squeeze %dma_start3A_111 : memref<1x80xi32, #tpu.memory_space<vmem>> -> memref<80xi32, #tpu.memory_space<vmem>>
      %dma_start3A_113 = arith.constant 0 : i32
      %dma_start3A_114 = arith.constant 0 : i32
      %dma_start3A_115 = tpu.memref_slice %arg10[%dma_start3A_113, %dma_start3A_114] : memref<10000x16xbf16, #tpu.memory_space<vmem_shared>> -> memref<10000x16xbf16, #tpu.memory_space<vmem_shared>>
      tpu.enqueue_indirect_dma source(%arg15 : memref<80x16xbf16, #tpu.memory_space<vmem>>) target(%dma_start3A_115 : memref<10000x16xbf16, #tpu.memory_space<vmem_shared>>) offsets(%dma_start3A_112 : memref<80xi32, #tpu.memory_space<vmem>>) semaphore(%arg18 : memref<!tpu.dma_semaphore, #tpu.memory_space<semaphore_mem>>) {add = true}
      %dma_wait3A_116 = arith.constant 0 : i32
      %dma_wait3A_117 = tpu.memref_slice %arg12[%mul3A_95, %dma_wait3A_116] : memref<125x80xi32, #tpu.memory_space<vmem>> -> memref<1x80xi32, #tpu.memory_space<vmem>>
      %dma_wait3A_118 = tpu.memref_squeeze %dma_wait3A_117 : memref<1x80xi32, #tpu.memory_space<vmem>> -> memref<80xi32, #tpu.memory_space<vmem>>
      %dma_wait3A_119 = arith.constant 0 : i32
      %dma_wait3A_120 = arith.constant 0 : i32
      %dma_wait3A_121 = tpu.memref_slice %arg9[%dma_wait3A_119, %dma_wait3A_120] : memref<10000x128xf32, #tpu.memory_space<vmem_shared>> -> memref<10000x128xf32, #tpu.memory_space<vmem_shared>>
      tpu.wait_indirect_dma semaphore(%arg19 : memref<!tpu.dma_semaphore, #tpu.memory_space<semaphore_mem>>) src(%arg13 : memref<80x128xf32, #tpu.memory_space<vmem>>) dst(%dma_wait3A_121 : memref<10000x128xf32, #tpu.memory_space<vmem_shared>>)
      %lt3A = arith.constant 61 : i32
      %lt3A_122 = arith.cmpi slt, %scan3A_92, %lt3A : i32
      %convert_element_type3A_123 = arith.extui %lt3A_122 : i1 to i32
      %cond3A_124 = arith.constant 0 : i32
      %cond3A_125 = arith.cmpi ne, %convert_element_type3A_123, %cond3A_124 : i32
      scf.if %cond3A_125 {
        %add3A_171 = arith.constant 2 : i32
        %add3A_172 = arith.addi %mul3A_95, %add3A_171 : i32
        %dma_start3A_173 = arith.constant 0 : i32
        %dma_start3A_174 = tpu.memref_slice %arg11[%add3A_172, %dma_start3A_173] : memref<125x80xi32, #tpu.memory_space<vmem>> -> memref<1x80xi32, #tpu.memory_space<vmem>>
        %dma_start3A_175 = tpu.memref_squeeze %dma_start3A_174 : memref<1x80xi32, #tpu.memory_space<vmem>> -> memref<80xi32, #tpu.memory_space<vmem>>
        %dma_start3A_176 = arith.constant 0 : i32
        %dma_start3A_177 = arith.constant 0 : i32
        %dma_start3A_178 = tpu.memref_slice %arg2[%dma_start3A_176, %dma_start3A_177] : memref<10000x128xf32, #tpu.memory_space<hbm>> -> memref<10000x128xf32, #tpu.memory_space<hbm>>
        tpu.enqueue_indirect_dma source(%dma_start3A_178 : memref<10000x128xf32, #tpu.memory_space<hbm>>) target(%arg13 : memref<80x128xf32, #tpu.memory_space<vmem>>) offsets(%dma_start3A_175 : memref<80xi32, #tpu.memory_space<vmem>>) semaphore(%arg16 : memref<!tpu.dma_semaphore, #tpu.memory_space<semaphore_mem>>)
      } else {
      }
      %add3A_126 = arith.constant 1 : i32
      %add3A_127 = arith.addi %mul3A_95, %add3A_126 : i32
      %dma_wait3A_128 = arith.constant 0 : i32
      %dma_wait3A_129 = tpu.memref_slice %arg11[%add3A_127, %dma_wait3A_128] : memref<125x80xi32, #tpu.memory_space<vmem>> -> memref<1x80xi32, #tpu.memory_space<vmem>>
      %dma_wait3A_130 = tpu.memref_squeeze %dma_wait3A_129 : memref<1x80xi32, #tpu.memory_space<vmem>> -> memref<80xi32, #tpu.memory_space<vmem>>
      %dma_wait3A_131 = arith.constant 0 : i32
      %dma_wait3A_132 = arith.constant 0 : i32
      %dma_wait3A_133 = tpu.memref_slice %arg2[%dma_wait3A_131, %dma_wait3A_132] : memref<10000x128xf32, #tpu.memory_space<hbm>> -> memref<10000x128xf32, #tpu.memory_space<hbm>>
      tpu.wait_indirect_dma semaphore(%arg17 : memref<!tpu.dma_semaphore, #tpu.memory_space<semaphore_mem>>) src(%dma_wait3A_133 : memref<10000x128xf32, #tpu.memory_space<hbm>>) dst(%arg14 : memref<80x128xf32, #tpu.memory_space<vmem>>)
      %add3A_134 = arith.constant 1 : i32
      %add3A_135 = arith.addi %mul3A_95, %add3A_134 : i32
      %dma_start3A_136 = arith.constant 0 : i32
      %dma_start3A_137 = tpu.memref_slice %arg12[%add3A_135, %dma_start3A_136] : memref<125x80xi32, #tpu.memory_space<vmem>> -> memref<1x80xi32, #tpu.memory_space<vmem>>
      %dma_start3A_138 = tpu.memref_squeeze %dma_start3A_137 : memref<1x80xi32, #tpu.memory_space<vmem>> -> memref<80xi32, #tpu.memory_space<vmem>>
      %dma_start3A_139 = arith.constant 0 : i32
      %dma_start3A_140 = arith.constant 0 : i32
      %dma_start3A_141 = tpu.memref_slice %arg9[%dma_start3A_139, %dma_start3A_140] : memref<10000x128xf32, #tpu.memory_space<vmem_shared>> -> memref<10000x128xf32, #tpu.memory_space<vmem_shared>>
      tpu.enqueue_indirect_dma source(%arg14 : memref<80x128xf32, #tpu.memory_space<vmem>>) target(%dma_start3A_141 : memref<10000x128xf32, #tpu.memory_space<vmem_shared>>) offsets(%dma_start3A_138 : memref<80xi32, #tpu.memory_space<vmem>>) semaphore(%arg19 : memref<!tpu.dma_semaphore, #tpu.memory_space<semaphore_mem>>) {add = true}
      %dma_wait3A_142 = arith.constant 0 : i32
      %dma_wait3A_143 = arith.constant 0 : i32
      %dma_wait3A_144 = tpu.memref_slice %arg12[%dma_wait3A_142, %dma_wait3A_143] : memref<125x80xi32, #tpu.memory_space<vmem>> -> memref<1x80xi32, #tpu.memory_space<vmem>>
      %dma_wait3A_145 = tpu.memref_squeeze %dma_wait3A_144 : memref<1x80xi32, #tpu.memory_space<vmem>> -> memref<80xi32, #tpu.memory_space<vmem>>
      %dma_wait3A_146 = arith.constant 0 : i32
      %dma_wait3A_147 = arith.constant 0 : i32
      %dma_wait3A_148 = tpu.memref_slice %arg10[%dma_wait3A_146, %dma_wait3A_147] : memref<10000x16xbf16, #tpu.memory_space<vmem_shared>> -> memref<10000x16xbf16, #tpu.memory_space<vmem_shared>>
      tpu.wait_indirect_dma semaphore(%arg18 : memref<!tpu.dma_semaphore, #tpu.memory_space<semaphore_mem>>) src(%arg15 : memref<80x16xbf16, #tpu.memory_space<vmem>>) dst(%dma_wait3A_148 : memref<10000x16xbf16, #tpu.memory_space<vmem_shared>>)
      %add3A_149 = arith.constant 1 : i32
      %add3A_150 = arith.addi %mul3A_95, %add3A_149 : i32
      %dma_start3A_151 = arith.constant 0 : i32
      %dma_start3A_152 = tpu.memref_slice %arg12[%add3A_150, %dma_start3A_151] : memref<125x80xi32, #tpu.memory_space<vmem>> -> memref<1x80xi32, #tpu.memory_space<vmem>>
      %dma_start3A_153 = tpu.memref_squeeze %dma_start3A_152 : memref<1x80xi32, #tpu.memory_space<vmem>> -> memref<80xi32, #tpu.memory_space<vmem>>
      %dma_start3A_154 = arith.constant 0 : i32
      %dma_start3A_155 = arith.constant 0 : i32
      %dma_start3A_156 = tpu.memref_slice %arg10[%dma_start3A_154, %dma_start3A_155] : memref<10000x16xbf16, #tpu.memory_space<vmem_shared>> -> memref<10000x16xbf16, #tpu.memory_space<vmem_shared>>
      tpu.enqueue_indirect_dma source(%arg15 : memref<80x16xbf16, #tpu.memory_space<vmem>>) target(%dma_start3A_156 : memref<10000x16xbf16, #tpu.memory_space<vmem_shared>>) offsets(%dma_start3A_153 : memref<80xi32, #tpu.memory_space<vmem>>) semaphore(%arg18 : memref<!tpu.dma_semaphore, #tpu.memory_space<semaphore_mem>>) {add = true}
      %add3A_157 = arith.constant 1 : i32
      %add3A_158 = arith.addi %mul3A_95, %add3A_157 : i32
      %dma_wait3A_159 = arith.constant 0 : i32
      %dma_wait3A_160 = tpu.memref_slice %arg12[%add3A_158, %dma_wait3A_159] : memref<125x80xi32, #tpu.memory_space<vmem>> -> memref<1x80xi32, #tpu.memory_space<vmem>>
      %dma_wait3A_161 = tpu.memref_squeeze %dma_wait3A_160 : memref<1x80xi32, #tpu.memory_space<vmem>> -> memref<80xi32, #tpu.memory_space<vmem>>
      %dma_wait3A_162 = arith.constant 0 : i32
      %dma_wait3A_163 = arith.constant 0 : i32
      %dma_wait3A_164 = tpu.memref_slice %arg9[%dma_wait3A_162, %dma_wait3A_163] : memref<10000x128xf32, #tpu.memory_space<vmem_shared>> -> memref<10000x128xf32, #tpu.memory_space<vmem_shared>>
      tpu.wait_indirect_dma semaphore(%arg19 : memref<!tpu.dma_semaphore, #tpu.memory_space<semaphore_mem>>) src(%arg14 : memref<80x128xf32, #tpu.memory_space<vmem>>) dst(%dma_wait3A_164 : memref<10000x128xf32, #tpu.memory_space<vmem_shared>>)
      %lt3A_165 = arith.constant 61 : i32
      %lt3A_166 = arith.cmpi slt, %scan3A_92, %lt3A_165 : i32
      %convert_element_type3A_167 = arith.extui %lt3A_166 : i1 to i32
      %cond3A_168 = arith.constant 0 : i32
      %cond3A_169 = arith.cmpi ne, %convert_element_type3A_167, %cond3A_168 : i32
      scf.if %cond3A_169 {
        %add3A_171 = arith.constant 3 : i32
        %add3A_172 = arith.addi %mul3A_95, %add3A_171 : i32
        %dma_start3A_173 = arith.constant 0 : i32
        %dma_start3A_174 = tpu.memref_slice %arg11[%add3A_172, %dma_start3A_173] : memref<125x80xi32, #tpu.memory_space<vmem>> -> memref<1x80xi32, #tpu.memory_space<vmem>>
        %dma_start3A_175 = tpu.memref_squeeze %dma_start3A_174 : memref<1x80xi32, #tpu.memory_space<vmem>> -> memref<80xi32, #tpu.memory_space<vmem>>
        %dma_start3A_176 = arith.constant 0 : i32
        %dma_start3A_177 = arith.constant 0 : i32
        %dma_start3A_178 = tpu.memref_slice %arg2[%dma_start3A_176, %dma_start3A_177] : memref<10000x128xf32, #tpu.memory_space<hbm>> -> memref<10000x128xf32, #tpu.memory_space<hbm>>
        tpu.enqueue_indirect_dma source(%dma_start3A_178 : memref<10000x128xf32, #tpu.memory_space<hbm>>) target(%arg14 : memref<80x128xf32, #tpu.memory_space<vmem>>) offsets(%dma_start3A_175 : memref<80xi32, #tpu.memory_space<vmem>>) semaphore(%arg17 : memref<!tpu.dma_semaphore, #tpu.memory_space<semaphore_mem>>)
      } else {
      }
      %scan3A_170 = arith.constant 0 : i32
      scf.yield %scan3A_170 : i32
    }
    %scan3A_36 = arith.constant 62 : i32
    %dma_start3A_37 = arith.constant 124 : i32
    %dma_start3A_38 = arith.constant 0 : i32
    %dma_start3A_39 = tpu.memref_slice %arg11[%dma_start3A_37, %dma_start3A_38] : memref<125x80xi32, #tpu.memory_space<vmem>> -> memref<1x80xi32, #tpu.memory_space<vmem>>
    %dma_start3A_40 = tpu.memref_squeeze %dma_start3A_39 : memref<1x80xi32, #tpu.memory_space<vmem>> -> memref<80xi32, #tpu.memory_space<vmem>>
    %dma_start3A_41 = arith.constant 0 : i32
    %dma_start3A_42 = arith.constant 0 : i32
    %dma_start3A_43 = tpu.memref_slice %arg2[%dma_start3A_41, %dma_start3A_42] : memref<10000x128xf32, #tpu.memory_space<hbm>> -> memref<10000x128xf32, #tpu.memory_space<hbm>>
    tpu.enqueue_indirect_dma source(%dma_start3A_43 : memref<10000x128xf32, #tpu.memory_space<hbm>>) target(%arg13 : memref<80x128xf32, #tpu.memory_space<vmem>>) offsets(%dma_start3A_40 : memref<80xi32, #tpu.memory_space<vmem>>) semaphore(%arg16 : memref<!tpu.dma_semaphore, #tpu.memory_space<semaphore_mem>>)
    %dma_wait3A_44 = arith.constant 124 : i32
    %dma_wait3A_45 = arith.constant 0 : i32
    %dma_wait3A_46 = tpu.memref_slice %arg11[%dma_wait3A_44, %dma_wait3A_45] : memref<125x80xi32, #tpu.memory_space<vmem>> -> memref<1x80xi32, #tpu.memory_space<vmem>>
    %dma_wait3A_47 = tpu.memref_squeeze %dma_wait3A_46 : memref<1x80xi32, #tpu.memory_space<vmem>> -> memref<80xi32, #tpu.memory_space<vmem>>
    %dma_wait3A_48 = arith.constant 0 : i32
    %dma_wait3A_49 = arith.constant 0 : i32
    %dma_wait3A_50 = tpu.memref_slice %arg2[%dma_wait3A_48, %dma_wait3A_49] : memref<10000x128xf32, #tpu.memory_space<hbm>> -> memref<10000x128xf32, #tpu.memory_space<hbm>>
    tpu.wait_indirect_dma semaphore(%arg16 : memref<!tpu.dma_semaphore, #tpu.memory_space<semaphore_mem>>) src(%dma_wait3A_50 : memref<10000x128xf32, #tpu.memory_space<hbm>>) dst(%arg13 : memref<80x128xf32, #tpu.memory_space<vmem>>)
    %dma_start3A_51 = arith.constant 124 : i32
    %dma_start3A_52 = arith.constant 0 : i32
    %dma_start3A_53 = tpu.memref_slice %arg12[%dma_start3A_51, %dma_start3A_52] : memref<125x80xi32, #tpu.memory_space<vmem>> -> memref<1x80xi32, #tpu.memory_space<vmem>>
    %dma_start3A_54 = tpu.memref_squeeze %dma_start3A_53 : memref<1x80xi32, #tpu.memory_space<vmem>> -> memref<80xi32, #tpu.memory_space<vmem>>
    %dma_start3A_55 = arith.constant 0 : i32
    %dma_start3A_56 = arith.constant 0 : i32
    %dma_start3A_57 = tpu.memref_slice %arg9[%dma_start3A_55, %dma_start3A_56] : memref<10000x128xf32, #tpu.memory_space<vmem_shared>> -> memref<10000x128xf32, #tpu.memory_space<vmem_shared>>
    tpu.enqueue_indirect_dma source(%arg13 : memref<80x128xf32, #tpu.memory_space<vmem>>) target(%dma_start3A_57 : memref<10000x128xf32, #tpu.memory_space<vmem_shared>>) offsets(%dma_start3A_54 : memref<80xi32, #tpu.memory_space<vmem>>) semaphore(%arg19 : memref<!tpu.dma_semaphore, #tpu.memory_space<semaphore_mem>>) {add = true}
    %dma_wait3A_58 = arith.constant 0 : i32
    %dma_wait3A_59 = arith.constant 0 : i32
    %dma_wait3A_60 = tpu.memref_slice %arg12[%dma_wait3A_58, %dma_wait3A_59] : memref<125x80xi32, #tpu.memory_space<vmem>> -> memref<1x80xi32, #tpu.memory_space<vmem>>
    %dma_wait3A_61 = tpu.memref_squeeze %dma_wait3A_60 : memref<1x80xi32, #tpu.memory_space<vmem>> -> memref<80xi32, #tpu.memory_space<vmem>>
    %dma_wait3A_62 = arith.constant 0 : i32
    %dma_wait3A_63 = arith.constant 0 : i32
    %dma_wait3A_64 = tpu.memref_slice %arg10[%dma_wait3A_62, %dma_wait3A_63] : memref<10000x16xbf16, #tpu.memory_space<vmem_shared>> -> memref<10000x16xbf16, #tpu.memory_space<vmem_shared>>
    tpu.wait_indirect_dma semaphore(%arg18 : memref<!tpu.dma_semaphore, #tpu.memory_space<semaphore_mem>>) src(%arg15 : memref<80x16xbf16, #tpu.memory_space<vmem>>) dst(%dma_wait3A_64 : memref<10000x16xbf16, #tpu.memory_space<vmem_shared>>)
    %dma_start3A_65 = arith.constant 124 : i32
    %dma_start3A_66 = arith.constant 0 : i32
    %dma_start3A_67 = tpu.memref_slice %arg12[%dma_start3A_65, %dma_start3A_66] : memref<125x80xi32, #tpu.memory_space<vmem>> -> memref<1x80xi32, #tpu.memory_space<vmem>>
    %dma_start3A_68 = tpu.memref_squeeze %dma_start3A_67 : memref<1x80xi32, #tpu.memory_space<vmem>> -> memref<80xi32, #tpu.memory_space<vmem>>
    %dma_start3A_69 = arith.constant 0 : i32
    %dma_start3A_70 = arith.constant 0 : i32
    %dma_start3A_71 = tpu.memref_slice %arg10[%dma_start3A_69, %dma_start3A_70] : memref<10000x16xbf16, #tpu.memory_space<vmem_shared>> -> memref<10000x16xbf16, #tpu.memory_space<vmem_shared>>
    tpu.enqueue_indirect_dma source(%arg15 : memref<80x16xbf16, #tpu.memory_space<vmem>>) target(%dma_start3A_71 : memref<10000x16xbf16, #tpu.memory_space<vmem_shared>>) offsets(%dma_start3A_68 : memref<80xi32, #tpu.memory_space<vmem>>) semaphore(%arg18 : memref<!tpu.dma_semaphore, #tpu.memory_space<semaphore_mem>>) {add = true}
    %dma_wait3A_72 = arith.constant 124 : i32
    %dma_wait3A_73 = arith.constant 0 : i32
    %dma_wait3A_74 = tpu.memref_slice %arg12[%dma_wait3A_72, %dma_wait3A_73] : memref<125x80xi32, #tpu.memory_space<vmem>> -> memref<1x80xi32, #tpu.memory_space<vmem>>
    %dma_wait3A_75 = tpu.memref_squeeze %dma_wait3A_74 : memref<1x80xi32, #tpu.memory_space<vmem>> -> memref<80xi32, #tpu.memory_space<vmem>>
    %dma_wait3A_76 = arith.constant 0 : i32
    %dma_wait3A_77 = arith.constant 0 : i32
    %dma_wait3A_78 = tpu.memref_slice %arg9[%dma_wait3A_76, %dma_wait3A_77] : memref<10000x128xf32, #tpu.memory_space<vmem_shared>> -> memref<10000x128xf32, #tpu.memory_space<vmem_shared>>
    tpu.wait_indirect_dma semaphore(%arg19 : memref<!tpu.dma_semaphore, #tpu.memory_space<semaphore_mem>>) src(%arg13 : memref<80x128xf32, #tpu.memory_space<vmem>>) dst(%dma_wait3A_78 : memref<10000x128xf32, #tpu.memory_space<vmem_shared>>)
    %dma_wait3A_79 = arith.constant 0 : i32
    %dma_wait3A_80 = arith.constant 0 : i32
    %dma_wait3A_81 = tpu.memref_slice %arg12[%dma_wait3A_79, %dma_wait3A_80] : memref<125x80xi32, #tpu.memory_space<vmem>> -> memref<1x80xi32, #tpu.memory_space<vmem>>
    %dma_wait3A_82 = tpu.memref_squeeze %dma_wait3A_81 : memref<1x80xi32, #tpu.memory_space<vmem>> -> memref<80xi32, #tpu.memory_space<vmem>>
    %dma_wait3A_83 = arith.constant 0 : i32
    %dma_wait3A_84 = arith.constant 0 : i32
    %dma_wait3A_85 = tpu.memref_slice %arg10[%dma_wait3A_83, %dma_wait3A_84] : memref<10000x16xbf16, #tpu.memory_space<vmem_shared>> -> memref<10000x16xbf16, #tpu.memory_space<vmem_shared>>
    tpu.wait_indirect_dma semaphore(%arg18 : memref<!tpu.dma_semaphore, #tpu.memory_space<semaphore_mem>>) src(%arg15 : memref<80x16xbf16, #tpu.memory_space<vmem>>) dst(%dma_wait3A_85 : memref<10000x16xbf16, #tpu.memory_space<vmem_shared>>)
    %barrier3A_86 = arith.constant 0 : index
    tpu.barrier barrier_id(%barrier3A_86)
    %mul3A_87 = arith.constant 10000 : i32
    %mul3A_88 = arith.muli %arg0, %mul3A_87 : i32
    %mul3A_89 = arith.constant 625 : i32
    %mul3A_90 = arith.muli %arg1, %mul3A_89 : i32
    %add3A_91 = arith.addi %mul3A_88, %mul3A_90 : i32
    "tpu.region"() ({
      %run_scoped3A = tpu.sem_alloc : memref<!tpu.dma_semaphore, #tpu.memory_space<semaphore_mem>>
      %dma_start3A_92 = arith.constant 0 : i32
      %dma_start3A_93 = tpu.memref_slice %arg7[%add3A_91, %dma_start3A_92] : memref<20000x128xf32, #tpu.memory_space<hbm>> -> memref<625x128xf32, #tpu.memory_space<hbm>>
      %dma_start3A_94 = arith.constant 0 : i32
      %dma_start3A_95 = tpu.memref_slice %arg9[%mul3A_2, %dma_start3A_94] : memref<10000x128xf32, #tpu.memory_space<vmem_shared>> -> memref<625x128xf32, #tpu.memory_space<vmem_shared>>
      tpu.enqueue_dma source(%dma_start3A_95 : memref<625x128xf32, #tpu.memory_space<vmem_shared>>) target(%dma_start3A_93 : memref<625x128xf32, #tpu.memory_space<hbm>>) target_semaphore(%run_scoped3A : memref<!tpu.dma_semaphore, #tpu.memory_space<semaphore_mem>>)
      %dma_wait3A_96 = arith.constant 0 : i32
      %dma_wait3A_97 = tpu.memref_slice %arg7[%add3A_91, %dma_wait3A_96] : memref<20000x128xf32, #tpu.memory_space<hbm>> -> memref<625x128xf32, #tpu.memory_space<hbm>>
      %dma_wait3A_98 = arith.constant 0 : i32
      %dma_wait3A_99 = tpu.memref_slice %arg9[%mul3A_2, %dma_wait3A_98] : memref<10000x128xf32, #tpu.memory_space<vmem_shared>> -> memref<625x128xf32, #tpu.memory_space<vmem_shared>>
      tpu.wait_dma2 semaphore(%run_scoped3A : memref<!tpu.dma_semaphore, #tpu.memory_space<semaphore_mem>>) src(%dma_wait3A_99 : memref<625x128xf32, #tpu.memory_space<vmem_shared>>) dst(%dma_wait3A_97 : memref<625x128xf32, #tpu.memory_space<hbm>>)
      tpu.yield
    }) : () -> ()
    "tpu.region"() ({
      %run_scoped3A = tpu.sem_alloc : memref<!tpu.dma_semaphore, #tpu.memory_space<semaphore_mem>>
      %dma_start3A_92 = arith.constant 0 : i32
      %dma_start3A_93 = tpu.memref_slice %arg8[%add3A_91, %dma_start3A_92] : memref<20000x16xbf16, #tpu.memory_space<hbm>> -> memref<625x16xbf16, #tpu.memory_space<hbm>>
      %dma_start3A_94 = arith.constant 0 : i32
      %dma_start3A_95 = tpu.memref_slice %arg10[%mul3A_2, %dma_start3A_94] : memref<10000x16xbf16, #tpu.memory_space<vmem_shared>> -> memref<625x16xbf16, #tpu.memory_space<vmem_shared>>
      tpu.enqueue_dma source(%dma_start3A_95 : memref<625x16xbf16, #tpu.memory_space<vmem_shared>>) target(%dma_start3A_93 : memref<625x16xbf16, #tpu.memory_space<hbm>>) target_semaphore(%run_scoped3A : memref<!tpu.dma_semaphore, #tpu.memory_space<semaphore_mem>>)
      %dma_wait3A_96 = arith.constant 0 : i32
      %dma_wait3A_97 = tpu.memref_slice %arg8[%add3A_91, %dma_wait3A_96] : memref<20000x16xbf16, #tpu.memory_space<hbm>> -> memref<625x16xbf16, #tpu.memory_space<hbm>>
      %dma_wait3A_98 = arith.constant 0 : i32
      %dma_wait3A_99 = tpu.memref_slice %arg10[%mul3A_2, %dma_wait3A_98] : memref<10000x16xbf16, #tpu.memory_space<vmem_shared>> -> memref<625x16xbf16, #tpu.memory_space<vmem_shared>>
      tpu.wait_dma2 semaphore(%run_scoped3A : memref<!tpu.dma_semaphore, #tpu.memory_space<semaphore_mem>>) src(%dma_wait3A_99 : memref<625x16xbf16, #tpu.memory_space<vmem_shared>>) dst(%dma_wait3A_97 : memref<625x16xbf16, #tpu.memory_space<hbm>>)
      tpu.yield
    }) : () -> ()
    return
  }
}

module attributes {stable_mosaic.version = 14 : i64} {
  func.func @_tc_body(%arg0: i32, %arg1: memref<2x1000x128xf32, #tpu.memory_space<vmem>>, %arg2: memref<2x1000x16xbf16, #tpu.memory_space<vmem>>, %arg3: memref<1000x128xf32, #tpu.memory_space<vmem>>, %arg4: memref<128x128xf32, #tpu.memory_space<vmem>>, %arg5: memref<1x128xf32, #tpu.memory_space<vmem>>, %arg6: memref<1000x128xf32, #tpu.memory_space<vmem>>) attributes {dimension_semantics = [#tpu.dimension_semantics<arbitrary>], iteration_bounds = array<i64: 10>, scalar_prefetch = 0 : i64, scratch_operands = 0 : i64, tpu.core_type = #tpu.core_type<tc>, window_params = [{transform_indices = @transform_0, window_bounds = array<i64: 2, 1000, 128>}, {transform_indices = @transform_1, window_bounds = array<i64: 2, 1000, 16>}, {transform_indices = @transform_2, window_bounds = array<i64: 1000, 128>}, {pipeline_mode = #tpu.pipeline_mode<synchronous>, transform_indices = @transform_3, window_bounds = array<i64: 128, 128>}, {pipeline_mode = #tpu.pipeline_mode<synchronous>, transform_indices = @transform_4, window_bounds = array<i64: 1, 128>}, {transform_indices = @transform_5, window_bounds = array<i64: 1000, 128>}]} {
    %get3A = arith.constant 0 : index
    %get3A_0 = arith.constant 0 : index
    %get3A_1 = arith.constant 0 : index
    %get3A_2 = vector.load %arg1[%get3A, %get3A_0, %get3A_1] : memref<2x1000x128xf32, #tpu.memory_space<vmem>>, vector<1x1000x128xf32>
    %get3A_3 = vector.shape_cast %get3A_2 : vector<1x1000x128xf32> to vector<1000x128xf32>
    %get3A_4 = arith.constant 1 : index
    %get3A_5 = arith.constant 0 : index
    %get3A_6 = arith.constant 0 : index
    %get3A_7 = vector.load %arg1[%get3A_4, %get3A_5, %get3A_6] : memref<2x1000x128xf32, #tpu.memory_space<vmem>>, vector<1x1000x128xf32>
    %get3A_8 = vector.shape_cast %get3A_7 : vector<1x1000x128xf32> to vector<1000x128xf32>
    %add3A = arith.addf %get3A_3, %get3A_8 : vector<1000x128xf32>
    %get3A_9 = arith.constant 0 : index
    %get3A_10 = arith.constant 0 : index
    %get3A_11 = arith.constant 0 : index
    %get3A_12 = vector.load %arg2[%get3A_9, %get3A_10, %get3A_11] : memref<2x1000x16xbf16, #tpu.memory_space<vmem>>, vector<1x1000x1xbf16>
    %get3A_13 = vector.shape_cast %get3A_12 : vector<1x1000x1xbf16> to vector<1000x1xbf16>
    %convert_element_type3A = arith.extf %get3A_13 : vector<1000x1xbf16> to vector<1000x1xf32>
    %get3A_14 = arith.constant 1 : index
    %get3A_15 = arith.constant 0 : index
    %get3A_16 = arith.constant 0 : index
    %get3A_17 = vector.load %arg2[%get3A_14, %get3A_15, %get3A_16] : memref<2x1000x16xbf16, #tpu.memory_space<vmem>>, vector<1x1000x1xbf16>
    %get3A_18 = vector.shape_cast %get3A_17 : vector<1x1000x1xbf16> to vector<1000x1xbf16>
    %convert_element_type3A_19 = arith.extf %get3A_18 : vector<1000x1xbf16> to vector<1000x1xf32>
    %add3A_20 = arith.addf %convert_element_type3A, %convert_element_type3A_19 : vector<1000x1xf32>
    %max3A = arith.constant 1.000000e+00 : f32
    %max3A_21 = vector.broadcast %max3A : f32 to vector<1000x1xf32>
    %max3A_22 = arith.maximumf %add3A_20, %max3A_21 : vector<1000x1xf32>
    %div3A = vector.broadcast %max3A_22 : vector<1000x1xf32> to vector<1000x128xf32>
    %div3A_23 = arith.divf %add3A, %div3A : vector<1000x128xf32>
    %gt3A = arith.constant 0.000000e+00 : f32
    %gt3A_24 = vector.broadcast %gt3A : f32 to vector<1000x1xf32>
    %gt3A_25 = arith.cmpf ogt, %add3A_20, %gt3A_24 : vector<1000x1xf32>
    %get3A_26 = arith.constant 0 : index
    %get3A_27 = arith.constant 0 : index
    %get3A_28 = vector.load %arg3[%get3A_26, %get3A_27] : memref<1000x128xf32, #tpu.memory_space<vmem>>, vector<1000x128xf32>
    %broadcast_in_dim3A = vector.shape_cast %gt3A_25 : vector<1000x1xi1> to vector<1000x1xi1>
    %broadcast_in_dim3A_29 = vector.broadcast %broadcast_in_dim3A : vector<1000x1xi1> to vector<1000x128xi1>
    %select_n3A = arith.select %broadcast_in_dim3A_29, %div3A_23, %get3A_28 : vector<1000x128xi1>, vector<1000x128xf32>
    %get3A_30 = arith.constant 0 : index
    %get3A_31 = arith.constant 0 : index
    %get3A_32 = vector.load %arg4[%get3A_30, %get3A_31] : memref<128x128xf32, #tpu.memory_space<vmem>>, vector<128x128xf32>
    %dot_general3A = arith.constant dense<0.000000e+00> : vector<1000x128xf32>
    %dot_general3A_33 = tpu.matmul %select_n3A, %get3A_32, %dot_general3A {dimension_numbers = #tpu.dot_dimension_numbers<[1], [1], [0], [0], [0, 0, 1, 0], [], []>, transpose_lhs_hint = false} : vector<1000x128xf32>, vector<128x128xf32>, vector<1000x128xf32> -> vector<1000x128xf32>
    %get3A_34 = arith.constant 0 : index
    %get3A_35 = arith.constant 0 : index
    %get3A_36 = vector.load %arg5[%get3A_34, %get3A_35] : memref<1x128xf32, #tpu.memory_space<vmem>>, vector<1x128xf32>
    %add3A_37 = vector.broadcast %get3A_36 : vector<1x128xf32> to vector<1000x128xf32>
    %add3A_38 = arith.addf %dot_general3A_33, %add3A_37 : vector<1000x128xf32>
    %max3A_39 = arith.constant 0.000000e+00 : f32
    %max3A_40 = vector.broadcast %max3A_39 : f32 to vector<1000x128xf32>
    %max3A_41 = arith.maximumf %add3A_38, %max3A_40 : vector<1000x128xf32>
    %swap3A = arith.constant 0 : index
    %swap3A_42 = arith.constant 0 : index
    %swap3A_43 = vector.load %arg6[%swap3A, %swap3A_42] : memref<1000x128xf32, #tpu.memory_space<vmem>>, vector<1000x128xf32>
    tpu.vector_store %arg6[%swap3A, %swap3A_42], %max3A_41 {strides = array<i32>} : memref<1000x128xf32, #tpu.memory_space<vmem>>, vector<1000x128xf32>,
    return
  }
  func.func @transform_0(%arg0: i32) -> (i32, i32, i32) {
    %c0_i32 = arith.constant 0 : i32
    %c0_i32_0 = arith.constant 0 : i32
    %c0_i32_1 = arith.constant 0 : i32
    return %c0_i32, %arg0, %c0_i32_0 : i32, i32, i32
  }
  func.func @transform_1(%arg0: i32) -> (i32, i32, i32) {
    %c0_i32 = arith.constant 0 : i32
    %c0_i32_0 = arith.constant 0 : i32
    %c0_i32_1 = arith.constant 0 : i32
    return %c0_i32, %arg0, %c0_i32_0 : i32, i32, i32
  }
  func.func @transform_2(%arg0: i32) -> (i32, i32) {
    %c0_i32 = arith.constant 0 : i32
    %c0_i32_0 = arith.constant 0 : i32
    return %arg0, %c0_i32 : i32, i32
  }
  func.func @transform_3(%arg0: i32) -> (i32, i32) {
    %c0_i32 = arith.constant 0 : i32
    %c0_i32_0 = arith.constant 0 : i32
    %c0_i32_1 = arith.constant 0 : i32
    return %c0_i32, %c0_i32_0 : i32, i32
  }
  func.func @transform_4(%arg0: i32) -> (i32, i32) {
    %c0_i32 = arith.constant 0 : i32
    %c0_i32_0 = arith.constant 0 : i32
    %c0_i32_1 = arith.constant 0 : i32
    return %c0_i32, %c0_i32_0 : i32, i32
  }
  func.func @transform_5(%arg0: i32) -> (i32, i32) {
    %c0_i32 = arith.constant 0 : i32
    %c0_i32_0 = arith.constant 0 : i32
    return %arg0, %c0_i32 : i32, i32
  }
}

</mosaic_0001>

<sc_bundles>
// kernel: kernel.4.cloned.1.call-start
scs
__scs_entry_jumppad:
0x0: {  	(pc) =	sbr.rel $0x88, $3  }
0x1: {  	(tag) =	ssettag $0x0;
	lr =	simm.s32 $0x1  }
0x2: {  	[smem:$0x3F9D] =	sst lr;
	_ =	strace $0xD0000000  }
0x3: {  	_ = 	snop  }
0x4: {  	_ = 	snop  }
0x5: {  	_ = 	snop  }
0x6: {  	_ = 	snop  }
0x7: {  	_ = 	snop  }
__scs_overlays_trampoline_lowered:
0x8: {  	[smem:$0x3FAC] =	sst s0  }
0x9: {  	[smem:$0x3FAD] =	sst s1  }
0xa: {  	[smem:$0x3FAE] =	sst s2  }
0xb: {  	[smem:$0x3FAF] =	sst s3  }
0xc: {  	[smem:$0x3FB0] =	sst s4  }
0xd: {  	[smem:$0x3FB1] =	sst s5  }
0xe: {  	[smem:$0x3FB2] =	sst s6  }
0xf: {  	[smem:$0x3FB3] =	sst s7  }
0x10: {  	[smem:$0x3FB4] =	sst s8  }
0x11: {  	[smem:$0x3FB5] =	sst s9;
	s0 =	simm.s32 @!p0 $0x0  }
0x12: {  	s1 =	sld [smem:$0x3F9B];
	s0 =	simm.s32 @p0 $0x1  }
0x13: {  	[smem:$0x3FB6] =	sst s0;
	s0 =	simm.s32 @!p1 $0x0  }
0x14: {  	s2 =	sld [smem:$0x3F9A];
	s0 =	simm.s32 @p1 $0x1  }
0x15: {  	[smem:$0x3FB7] =	sst s0;
	s0 =	simm.s32 @!p2 $0x0  }
0x16: {  	s3 =	sld [smem:$0x3FDB];
	s0 =	simm.s32 @p2 $0x1  }
0x17: {  	s4 =	simm.s32 $0x1BF5;
	[smem:$0x3FB9] =	sst s0  }
0x18: {  	s0 =	sld [smem:$0x3F9C];
	_ =	swait.ge [sflag:s4], $0x0  }
0x19: {  	s7 =	sld [smem:$0x3F9D]  }
0x1a: {  	s8 =	sadd.s32 $0xFFFFE003, lr  }
0x1b: {  	s9 =	sadd.s32 $0xFFFFFEF7, lr;
	s5 =	simm.s32 $0xFFFFFFFF;
	p2 =	slt.u32 s8, $0xFFFFF086  }
0x1c: {  	p1 =	slt.u32 s9, $0xF7A;
	s5 =	simm.s32 @!p2 $0x0  }
0x1d: {  	s5 =	simm.s32 @p1 $0x1;
	p0 =	seq.s32 s7, s2  }
0x1e: {  	s7 =	smul.u32 @!p0 $0xF7A, s2;
	p2 =	seq.s32 @!p0 s5, $0x0  }
0x1f: {  	s9 =	smul.u32 $0xF7A, s1;
	s8 =	simm.s32 @!p0 $0x1BF5;
	p2 =	por !p2, p0  }
0x20: {  	[sflag:s8] =	ssyncset.s32 @!p0 $0xFFFFF086;
	s6 =	sadd.s32 @!p0 s3, s7;
	s7 =	simm.s32 @!p0 $0x108  }
0x21: {  	s3 =	sadd.s32 s3, s9;
	s6 =	sadd.s32 @!p0 $0x88, s6;
	s7 =	simm.s32 @p2 $0x1082  }
0x22: {  	[simem:s7], [sflag:s8] =	dma.local @!p0 [hbm:s6], $0xF7A  }
0x23: {  	s9 =	sor.u32 $0xD0000000, s2;
	s6 =	simm.s32 $0x108;
	_ =	swait.ge @!p0 [sflag:s8], $0x0  }
0x24: {  	s3 =	sadd.s32 $0x88, s3;
	s6 =	simm.s32 @!p1 $0x1082;
	[sflag:s4] =	ssyncset.s32 $0xFFFFF086  }
0x25: {  	[simem:s6], [sflag:s4] =	dma.local [hbm:s3], $0xF7A  }
0x26: {  	[smem:$0x3F9D] =	sst s1;
	(tag) =	ssettag s2;
	_ =	strace s9  }
0x27: {  	s1 =	sld [smem:$0x3FAD]  }
0x28: {  	s2 =	sld [smem:$0x3FAE]  }
0x29: {  	s4 =	sld [smem:$0x3FB0]  }
0x2a: {  	p0 =	seq.s32 s5, $0x0;
	s5 =	sld [smem:$0x3FB1]  }
0x2b: {  	s6 =	sld [smem:$0x3FB2]  }
0x2c: {  	s7 =	sld [smem:$0x3FB3]  }
0x2d: {  	s3 =	simm.s32 $0x108;
	s8 =	sld [smem:$0x3FB4]  }
0x2e: {  	s3 =	simm.s32 @!p0 $0x1082;
	s9 =	sld [smem:$0x3FB5]  }
0x2f: {  	lr =	sadd.s32 s0, s3;
	s0 =	sld [smem:$0x3FAC]  }
0x30: {  	s3 =	sld [smem:$0x3FAF]  }
0x31: {  	[smem:$0x3FB8] =	sst s10  }
0x32: {  	s10 =	sld [smem:$0x3FB6];
	_ =	sdelay $0x3  }
0x33: {  	p0 =	seq.s32 s10, $0x1;
	s10 =	sld [smem:$0x3FB8];
	_ =	sdelay $0x3  }
0x34: {  	[smem:$0x3FB8] =	sst s10  }
0x35: {  	s10 =	sld [smem:$0x3FB7];
	_ =	sdelay $0x3  }
0x36: {  	p1 =	seq.s32 s10, $0x1;
	s10 =	sld [smem:$0x3FB8];
	_ =	sdelay $0x3  }
0x37: {  	[smem:$0x3FB8] =	sst s10  }
0x38: {  	s10 =	sld [smem:$0x3FB9]  }
0x39: {  	_ = 	snop;
	(pc) =	sbr.ind lr, $3  }
0x3a: {  	_ = 	snop  }
0x3b: {  	_ = 	snop  }
0x3c: {  	p2 =	seq.s32 s10, $0x1;
	s10 =	sld [smem:$0x3FB8]  }
0x3d: {  	_ =	shalt  }
0x3e: {  	_ =	shalt  }
0x3f: {  	_ =	shalt  }
0x40: {  	_ =	shalt  }
0x41: {  	_ =	shalt  }
0x42: {  	_ =	shalt  }
0x43: {  	_ =	shalt  }
0x44: {  	_ =	shalt  }
0x45: {  	_ =	shalt  }
0x46: {  	_ =	shalt  }
0x47: {  	_ =	shalt  }
0x48: {  	_ =	shalt  }
0x49: {  	_ =	shalt  }
0x4a: {  	_ =	shalt  }
0x4b: {  	_ =	shalt  }
0x4c: {  	_ =	shalt  }
0x4d: {  	_ =	shalt  }
0x4e: {  	_ =	shalt  }
0x4f: {  	_ =	shalt  }
0x50: {  	_ =	shalt  }
0x51: {  	_ =	shalt  }
0x52: {  	_ =	shalt  }
0x53: {  	_ =	shalt  }
0x54: {  	_ =	shalt  }
0x55: {  	_ =	shalt  }
0x56: {  	_ =	shalt  }
0x57: {  	_ =	shalt  }
0x58: {  	_ =	shalt  }
0x59: {  	_ =	shalt  }
0x5a: {  	_ =	shalt  }
0x5b: {  	_ =	shalt  }
0x5c: {  	_ =	shalt  }
0x5d: {  	_ =	shalt  }
0x5e: {  	_ =	shalt  }
0x5f: {  	_ =	shalt  }
0x60: {  	_ =	shalt  }
0x61: {  	_ =	shalt  }
0x62: {  	_ =	shalt  }
0x63: {  	_ =	shalt  }
0x64: {  	_ =	shalt  }
0x65: {  	_ =	shalt  }
0x66: {  	_ =	shalt  }
0x67: {  	_ =	shalt  }
0x68: {  	_ =	shalt  }
0x69: {  	_ =	shalt  }
0x6a: {  	_ =	shalt  }
0x6b: {  	_ =	shalt  }
0x6c: {  	_ =	shalt  }
0x6d: {  	_ =	shalt  }
0x6e: {  	_ =	shalt  }
0x6f: {  	_ =	shalt  }
0x70: {  	_ =	shalt  }
0x71: {  	_ =	shalt  }
0x72: {  	_ =	shalt  }
0x73: {  	_ =	shalt  }
0x74: {  	_ =	shalt  }
0x75: {  	_ =	shalt  }
0x76: {  	_ =	shalt  }
0x77: {  	_ =	shalt  }
0x78: {  	_ =	shalt  }
0x79: {  	_ =	shalt  }
0x7a: {  	_ =	shalt  }
0x7b: {  	_ =	shalt  }
0x7c: {  	_ =	shalt  }
0x7d: {  	_ =	shalt  }
0x7e: {  	_ =	shalt  }
0x7f: {  	_ =	shalt  }
0x80: {  	_ =	shalt  }
0x81: {  	_ =	shalt  }
0x82: {  	_ =	shalt  }
0x83: {  	_ =	shalt  }
0x84: {  	_ =	shalt  }
0x85: {  	_ =	shalt  }
0x86: {  	_ =	shalt  }
0x87: {  	_ =	shalt  }
.Lfunc_end0:
.L_simem_size_0:
called_computation_lowered:
.L_overlay_start_0:
0x88: {  	s2 =	sld [smem:$0x3FD9]  }
0x89: {  	s3 =	sld [smem:$0x3FFE];
	_ =	sdelay $0x1  }
0x8a: {  	s1 =	srdreg.scid  }
0x8b: {  	s0 =	sand.u32 $0x1, s1  }
0x8c: {  	s17 =	sshll.u32 s0, $0xA;
	s2 =	sadd.s32 s3, s2  }
0x8d: {  	s2 =	sadd.s32 s2, s17  }
0x8e: {  	[smem:$0x3FC4] =	sst s2  }
0x8f: {  	_ = 	snop  }
0x90: {  	s2 =	sld [smem:$0x3FC9]  }
0x91: {  	s18 =	sld [smem:$0x3FD0];
	(tm) =	ssettm $0x1  }
0x92: {  	s4 =	sld [smem:$0x3FFB];
	_ =	sdelay $0x3  }
0x93: {  	_ =	strace s4  }
0x94: {  	s4 =	sld [smem:$0x3FFC];
	_ =	sdelay $0x3  }
0x95: {  	_ =	strace s4  }
0x96: {  	s4 =	sld [smem:$0x3FFD];
	_ =	sdelay $0x3  }
0x97: {  	_ =	strace s4  }
0x98: {  	_ =	strace $0x8FFFFFFF  }
0x99: {  	s19 =	sld [smem:$0x3FDB];
	_ =	sdelay $0x1  }
0x9a: {  	s5 =	simm.s32 $_scs_section_size  }
0x9b: {  	s6 =	simm.s32 $_size__tile_overlayer_lowered;
	s7 =	simm.s32 $_tile_overlayer_lowered  }
0x9c: {  	s22 =	simm.s32 $0x1BFF;
	s21 =	sshll.u32 s7, $0x1;
	s4 =	sadd.s32 s5, s19  }
0x9d: {  	s8 =	simm.s32 $0x0;
	s20 =	sshll.u32 s6, $0x1;
	s6 =	sadd.s32 s21, s4  }
0x9e: {  	[timem:s8], [sflag:s22] =	dma.local [hbm:s6], s20  }
0x9f: {  	_ =	swait.ge [sflag:s22], s20  }
0xa0: {  	s5 =	ssub.s32 $0x0, s20;
	[sflag:s22] =	ssyncset.done $0x0  }
0xa1: {  	[sflag:s22] =	ssyncadd.s32 s5;
	_ =	sdelay $0x1  }
0xa2: {  	s23 =	simm.s32 $0x1B8B  }
0xa3: {  	_ =	swait.ge [sflag:s23], $0x1  }
0xa4: {  	[sflag:s23] =	ssyncset.done $0x0  }
0xa5: {  	s25 =	simm.s32 $0x1B8E;
	s24 =	sld [smem:$0x3FFE];
	[sflag:s23] =	ssyncadd.s32 $0xFFFFFFFF  }
0xa6: {  	s26 =	simm.s32 $execute0_lowered;
	[smem:$0x3FD2] =	sst s25  }
0xa7: {  	s6 =	sshll.u32 s26, $0x1;
	_ =	strace $0x80000046;
	[dreg:$0x1] =	wrdreg $0xFFFFFFFF  }
0xa8: {  	s28 =	simm.s32 $_size_execute0_lowered;
	s4 =	sadd.s32 s4, s6;
	[dreg:$0x0] =	wrdreg $0x0  }
0xa9: {  	s6 =	sshll.u32 s28, $0x1;
	[dreg:$0x2] =	wrdreg s4  }
0xaa: {  	[dreg:$0x3] =	wrdreg s6  }
0xab: {  	[dreg:$0x4] =	wrdreg $0xC0  }
0xac: {  	_ =	task [dreg:s8], $0x5FFFF  }
0xad: {  	[dreg:$0x1] =	wrdreg $0xFFFFFFFF  }
0xae: {  	[dreg:$0x0] =	wrdreg $0x60  }
0xaf: {  	[dreg:$0x2] =	wrdreg s2  }
0xb0: {  	[dreg:$0x3] =	wrdreg s24  }
0xb1: {  	[dreg:$0x4] =	wrdreg s18  }
0xb2: {  	[dreg:$0x5] =	wrdreg $0x0  }
0xb3: {  	[dreg:$0x6] =	wrdreg $0x138800  }
0xb4: {  	[dreg:$0x7] =	wrdreg $0x9  }
0xb5: {  	_ =	task.clear_ibuf [dreg:s8], $0x8FFFF;
	_ =	strace $0x90000046  }
0xb6: {  	s29 =	simm.s32 $0x9;
	_ =	strace $0x80000048  }
0xb7: {  	_ =	swait.ge [sflag:s29], $0x1  }
0xb8: {  	[sflag:s29] =	ssyncadd.s32 $0xFFFFFFFF  }
0xb9: {  	_ =	strace $0x90000048  }
0xba: {  	_ =	sfence  }
0xbb: {  	s30 =	sld [smem:$0x0];
	_ =	sdelay $0x2  }
0xbc: {  	s31 =	sshll.u32 s1, $0xD;
	s1 =	sshrl.u32 s1, $0x2  }
0xbd: {  	s3 =	sand.u32 $0x4000, s31;
	s1 =	sadd.s32 s1, s30  }
0xbe: {  	s0 =	sor.u32 s3, s0;
	s1 =	sshll.u32 s1, $0x11  }
0xbf: {  	s0 =	sor.u32 s1, s0  }
0xc0: {  	s0 =	sadd.s32 $0x8F2B, s0  }
0xc1: {  	[sflag:s0] =	ssyncadd.remote.s32 $0x1  }
0xc2: {  	_ =	sfence.sel $0xFFFF  }
0xc3: {  	[dreg:$0x0] =	wrdreg $0xFFFFFFFF;
	(pc) =	sbr.abs _section_cstart, $3  }
0xc4: {  	[dreg:$0x1] =	wrdreg $0xFFFFFFFF  }
0xc5: {  	_ =	task.clear_ibuf [dreg:s8], $0x2FFFF;
	_ =	strace $0x9FFFFFFF  }
0xc6: {  	(tm) =	ssettm $0x7FFFFFFF  }
0xc7: {  	_ =	shalt  }
tec
execute0_lowered:
.L_overlay_start_1:
0x0: {  	(tag) =	ssettag $0x1  }
0x1: {  	s1 =	rddreg [dreg:$0x0]  }
0x2: {  	s0 =	srdreg.scid;
	s2 =	rddreg [dreg:$0x1]  }
0x3: {  	s14 =	stileid.u32;
	s5 =	rddreg [dreg:$0x2];
	s8 =	simm.s32 $0x0  }
0x4: {  	s17 =	simm.s32 $0x14C08;
	s18 =	simm.s32 $0x6;
	s19 =	simm.s32 $0x17318  }
0x5: {  	s20 =	simm.s32 $0x5;
	s28 =	simm.s32 $0x4;
	s30 =	simm.s32 $0x2  }
0x6: {  	s31 =	simm.s32 $0x17368;
	s29 =	simm.s32 $0x199D8;
	s6 =	smul.u32 $0x271, s14  }
0x7: {  	s0 =	sand.u32 $0x1, s0;
	[smem:$0x7FF] =	sst s8;
	s24 =	smul.u32 $0x4E200, s14  }
0x8: {  	s22 =	sadd.s32 $0xB000, s2;
	s23 =	sadd.s32 $0xE00, s2;
	s13 =	smul.u32 $0x4E20, s14  }
0x9: {  	s8 =	sshll.u32 s14, $0x6;
	s3 =	sshll.u32 s0, $0x4;
	s7 =	smul.u32 $0x2710, s0  }
0xa: {  	s0 =	ssub.s32 $0x2, s0;
	s4 =	sor.u32 s14, s3;
	s3 =	rddreg [dreg:$0x3]  }
0xb: {  	s25 =	sshrl.u32 s0, $0x1;
	s11 =	smul.u32 $0x4E2, s4;
	s4 =	rddreg [dreg:$0x4]  }
0xc: {  	s13 =	sshrl.u32 s13, $0x2;
	_ =	strace $0x80000047;
	[dreg:$0x6] =	wrdreg s22  }
0xd: {  	s21 =	sadd.s32 s6, s7;
	[dreg:$0x7] =	wrdreg s23;
	s0 =	ssub.s32 s0, s25  }
0xe: {  	s22 =	simm.s32 $0x19A28;
	s25 =	simm.s32 $0x1;
	s9 =	sshll.u32 s21, $0x4  }
0xf: {  	s16 =	sadd.s32 s13, s4;
	s14 =	smax.u32 s0, $0x1;
	s0 =	simm.s32 $0x0  }
0x10: {  	s10 =	sadd.s32 s11, s2;
	s12 =	sadd.s32 s9, s2;
	s2 =	sadd.s32 s21, s2  }
.Ltmp0:
0x11: {  	s9 =	sshrl.u32 s24, $0x2;
	s11 =	sadd.s32 s5, s11;
	(pc) =	sbr.rel .LBB2_1-.Ltmp0, $4  }
0x12: {  	s16 =	sshrl.u32 s16, $0x3;
	s21 =	simm.s32 $0x50;
	s24 =	simm.s32 $0x1C228  }
0x13: {  	s15 =	sadd.s32 s9, s3;
	s9 =	sor.u32 $0x1C05, s8;
	s26 =	sadd.s32 $0x1200, s10  }
0x14: {  	s12 =	sadd.s32 $0x12800, s12;
	s13 =	sadd.s32 $0xD800, s2;
	s2 =	simm.s32 $0x3  }
0x15: {  	v0 =	vimm.bf16 $1.0000e+00;
	[dreg:$0x8] =	wrdreg s26;
	s15 =	sshrl.u32 s15, $0x3;
	s26 =	simm.s32 $0x1EA28  }
.LBB2_6:
0x16: {  	s5 =	simm.s32 $0x172C8  }
0x17: {  	[tilespmem:s22], [sflag:$0x1] =	stream.indirect.gather [hbm4b:s1+s21], $0x80, s5, s21, $0xb8;
	[tilespmem:$0x1ECA8] =	vst v63  }
0x18: {  	_ =	swait.ge [sflag:s25], $0x2800  }
0x19: {  	[sflag:s25] =	ssyncset.done $0x0  }
0x1a: {  	[sflag:s25] =	ssyncadd.s32 $0xFFFFD800  }
0x1b: {  	[spmem:s3] =	stream.indirect.scatter.add.f32 [tilespmem:s22], [sflag:$0x4], $0x80, s29, s21, $0xb8;
	[tilespmem:$0x1ECA8] =	vst v63  }
0x1c: {  	_ =	swait.ge [sflag:s2], $0x280  }
0x1d: {  	[sflag:s2] =	ssyncset.done $0x0  }
0x1e: {  	[sflag:s2] =	ssyncadd.s32 $0xFFFFFD80  }
0x1f: {  	[spmem:s4] =	stream.indirect.scatter.add.bf16 [tilespmem:s26], [sflag:$0x3], $0x8, s29, s21, $0xb8;
	[tilespmem:$0x1ECA8] =	vst v63  }
0x20: {  	_ =	swait.ge [sflag:s28], $0x2800  }
0x21: {  	[sflag:s28] =	ssyncset.done $0x0  }
0x22: {  	[sflag:s28] =	ssyncadd.s32 $0xFFFFD800  }
0x23: {  	_ =	swait.ge [sflag:s2], $0x280  }
0x24: {  	[sflag:s2] =	ssyncset.done $0x0  }
0x25: {  	[sflag:s2] =	ssyncadd.s32 $0xFFFFFD80  }
0x26: {  	s23 =	sor.u32 $0x1C06, s8;
	[bflag:$0x0] =	sbarrier.arrive $0xFFFF  }
0x27: {  	[hbm:s12], [sflag:s23] =	dma.local [spmem:s15], $0x2710  }
0x28: {  	s0 =	sadd.s32 $0x1, s0;
	_ =	swait.ge [sflag:s18], $0x2710  }
0x29: {  	p0 =	sne.s32 s0, s14;
	[sflag:s18] =	ssyncset.done $0x0  }
.Ltmp1:
0x2a: {  	[sflag:s18] =	ssyncadd.s32 $0xFFFFD8F0;
	(pc) =	sbr.rel @!p0 .LBB2_7-.Ltmp1, $4  }
0x2b: {  	[hbm:s13], [sflag:s23] =	dma.local [spmem:s16], $0x271  }
0x2c: {  	_ =	swait.ge [sflag:s18], $0x271  }
0x2d: {  	[sflag:s18] =	ssyncset.done $0x0  }
0x2e: {  	[sflag:s18] =	ssyncadd.s32 $0xFFFFFD8F  }
.LBB2_1:
0x2f: {  	s5 =	rddreg [dreg:$0x6]  }
0x30: {  	[spmem:s15], [sflag:s9] =	dma.local [hbm:s5], $0x2710  }
0x31: {  	s5 =	rddreg [dreg:$0x7]  }
0x32: {  	[spmem:s16], [sflag:s9] =	dma.local [hbm:s5], $0x271  }
0x33: {  	s23 =	simm.s32 $0x0;
	s5 =	simm.s32 $0x40  }
.LBB2_2:
0x34: {  	p0 =	sne.s32 s5, $0x9C0;
	[tilespmem:s23+$0x1EA28] =	vst.msk $0xff, v0;
	s6 =	smov.u32 s5;
	s5 =	sadd.s32 $0x40, s5  }
.Ltmp2:
0x35: {  	[tilespmem:s23+$0x1EA30] =	vst.msk $0xff, v0;
	(pc) =	sbr.rel @p0 .LBB2_2-.Ltmp2, $2  }
0x36: {  	_ =	sdelay $0x2  }
0x37: {  	s23 =	sshra.s32 s6, $0x2  }
0x38: {  	[tilespmem:s23+$0x1EA28] =	vst.msk $0xff, v0  }
0x39: {  	[tilespmem:s23+$0x1EA30] =	vst.msk $0xff, v0;
	s5 =	simm.s32 $0x0;
	s6 =	rddreg [dreg:$0x8]  }
0x3a: {  	[tilespmem:s17], [sflag:$0x6] =	stream.linear.gather [hbm4b:s6+s5], $0x2710, $0x38;
	[tilespmem:$0x1ECA8] =	vst v63  }
0x3b: {  	_ =	swait.ge [sflag:s18], $0x2710  }
0x3c: {  	[sflag:s18] =	ssyncset.done $0x0  }
0x3d: {  	[sflag:s18] =	ssyncadd.s32 $0xFFFFD8F0  }
0x3e: {  	[tilespmem:s19], [sflag:$0x6] =	stream.linear.gather [hbm4b:s11+s5], $0x2710, $0x38;
	[tilespmem:$0x1ECA8] =	vst v63  }
0x3f: {  	_ =	swait.ge [sflag:s18], $0x2710  }
0x40: {  	[sflag:s18] =	ssyncset.done $0x0  }
0x41: {  	[sflag:s18] =	ssyncadd.s32 $0xFFFFD8F0  }
0x42: {  	_ =	swait.ge [sflag:s20], $0x2710  }
0x43: {  	[sflag:s20] =	ssyncset.done $0x0  }
0x44: {  	[sflag:s20] =	ssyncadd.s32 $0xFFFFD8F0  }
0x45: {  	_ =	swait.ge [sflag:s20], $0x271  }
0x46: {  	[sflag:s20] =	ssyncset.done $0x0  }
0x47: {  	[sflag:s20] =	ssyncadd.s32 $0xFFFFFD8F  }
0x48: {  	[bflag:$0x0] =	sbarrier.arrive $0xFFFF  }
0x49: {  	[tilespmem:s22], [sflag:$0x1] =	stream.indirect.gather [hbm4b:s1+s21], $0x80, s17, s21, $0xb8;
	[tilespmem:$0x1ECA8] =	vst v63  }
0x4a: {  	s7 =	simm.s32 $0x14C58  }
0x4b: {  	[tilespmem:s24], [sflag:$0x2] =	stream.indirect.gather [hbm4b:s1+s21], $0x80, s7, s21, $0xb8;
	[tilespmem:$0x1ECA8] =	vst v63  }
0x4c: {  	_ =	swait.ge [sflag:s25], $0x2800  }
0x4d: {  	[sflag:s25] =	ssyncset.done $0x0  }
0x4e: {  	[sflag:s25] =	ssyncadd.s32 $0xFFFFD800  }
0x4f: {  	[spmem:s3] =	stream.indirect.scatter.add.f32 [tilespmem:s22], [sflag:$0x4], $0x80, s19, s21, $0xb8;
	[tilespmem:$0x1ECA8] =	vst v63  }
0x50: {  	_ = 	snop  }
0x51: {  	[spmem:s4] =	stream.indirect.scatter.add.bf16 [tilespmem:s26], [sflag:$0x3], $0x8, s19, s21, $0xb8;
	[tilespmem:$0x1ECA8] =	vst v63  }
0x52: {  	_ =	swait.ge [sflag:s28], $0x2800  }
0x53: {  	[sflag:s28] =	ssyncset.done $0x0  }
0x54: {  	s10 =	simm.s32 $0x14CA8;
	[sflag:s28] =	ssyncadd.s32 $0xFFFFD800  }
0x55: {  	[tilespmem:s22], [sflag:$0x1] =	stream.indirect.gather [hbm4b:s1+s21], $0x80, s10, s21, $0xb8;
	[tilespmem:$0x1ECA8] =	vst v63  }
0x56: {  	_ =	swait.ge [sflag:s30], $0x2800  }
0x57: {  	[sflag:s30] =	ssyncset.done $0x0  }
0x58: {  	[sflag:s30] =	ssyncadd.s32 $0xFFFFD800  }
0x59: {  	[spmem:s3] =	stream.indirect.scatter.add.f32 [tilespmem:s24], [sflag:$0x4], $0x80, s31, s21, $0xb8;
	[tilespmem:$0x1ECA8] =	vst v63  }
0x5a: {  	_ =	swait.ge [sflag:s2], $0x280  }
0x5b: {  	[sflag:s2] =	ssyncset.done $0x0  }
0x5c: {  	[sflag:s2] =	ssyncadd.s32 $0xFFFFFD80  }
0x5d: {  	[spmem:s4] =	stream.indirect.scatter.add.bf16 [tilespmem:s26], [sflag:$0x3], $0x8, s31, s21, $0xb8;
	[tilespmem:$0x1ECA8] =	vst v63  }
0x5e: {  	_ =	swait.ge [sflag:s28], $0x2800  }
0x5f: {  	[sflag:s28] =	ssyncset.done $0x0  }
0x60: {  	s23 =	simm.s32 $0x14CF8;
	[sflag:s28] =	ssyncadd.s32 $0xFFFFD800  }
0x61: {  	[tilespmem:s24], [sflag:$0x2] =	stream.indirect.gather [hbm4b:s1+s21], $0x80, s23, s21, $0xb8;
	[tilespmem:$0x1ECA8] =	vst v63  }
0x62: {  	s23 =	simm.s32 $0xFFFF6A00  }
.LBB2_4:
0x63: {  	_ =	swait.ge [sflag:s25], $0x2800  }
0x64: {  	s5 =	sshra.s32 s23, $0x2;
	[sflag:s25] =	ssyncset.done $0x0  }
0x65: {  	s6 =	sadd.s32 $0x19938, s5;
	[sflag:s25] =	ssyncadd.s32 $0xFFFFD800  }
0x66: {  	[spmem:s3] =	stream.indirect.scatter.add.f32 [tilespmem:s22], [sflag:$0x4], $0x80, s6, s21, $0xb8;
	[tilespmem:$0x1ECA8] =	vst v63  }
0x67: {  	_ =	swait.ge [sflag:s2], $0x280  }
0x68: {  	[sflag:s2] =	ssyncset.done $0x0  }
0x69: {  	[sflag:s2] =	ssyncadd.s32 $0xFFFFFD80  }
0x6a: {  	[spmem:s4] =	stream.indirect.scatter.add.bf16 [tilespmem:s26], [sflag:$0x3], $0x8, s6, s21, $0xb8;
	[tilespmem:$0x1ECA8] =	vst v63  }
0x6b: {  	p0 =	seq.s32 s23, $0x0;
	_ =	swait.ge [sflag:s28], $0x2800  }
0x6c: {  	s7 =	simm.s32 @!p0 $0x50;
	s6 =	sshra.s32 @!p0 s23, $0x2;
	[sflag:s28] =	ssyncset.done $0x0  }
0x6d: {  	s10 =	simm.s32 @!p0 $0x19A28;
	s6 =	sadd.s32 @!p0 $0x172C8, s6;
	[sflag:s28] =	ssyncadd.s32 $0xFFFFD800  }
0x6e: {  	[tilespmem:s10], [sflag:$0x1] =	stream.indirect.gather @!p0 [hbm4b:s1+s7], $0x80, s6, s7, $0xb8;
	[tilespmem:$0x1ECA8] =	vst v63  }
0x6f: {  	_ =	swait.ge [sflag:s30], $0x2800  }
0x70: {  	[sflag:s30] =	ssyncset.done $0x0  }
0x71: {  	s10 =	sadd.s32 $0x19988, s5;
	[sflag:s30] =	ssyncadd.s32 $0xFFFFD800  }
0x72: {  	[spmem:s3] =	stream.indirect.scatter.add.f32 [tilespmem:s24], [sflag:$0x4], $0x80, s10, s21, $0xb8;
	[tilespmem:$0x1ECA8] =	vst v63  }
0x73: {  	_ =	swait.ge [sflag:s2], $0x280  }
0x74: {  	[sflag:s2] =	ssyncset.done $0x0  }
.Ltmp3:
0x75: {  	[sflag:s2] =	ssyncadd.s32 $0xFFFFFD80;
	(pc) =	sbr.rel @p0 .LBB2_6-.Ltmp3, $4  }
0x76: {  	[spmem:s4] =	stream.indirect.scatter.add.bf16 [tilespmem:s26], [sflag:$0x3], $0x8, s10, s21, $0xb8;
	[tilespmem:$0x1ECA8] =	vst v63  }
0x77: {  	_ =	swait.ge [sflag:s28], $0x2800  }
0x78: {  	[sflag:s28] =	ssyncset.done $0x0  }
0x79: {  	[sflag:s28] =	ssyncadd.s32 $0xFFFFD800  }
.Ltmp4:
0x7a: {  	(pc) =	sbr.rel .LBB2_4-.Ltmp4, $3  }
0x7b: {  	_ =	sdelay $0x1  }
0x7c: {  	s5 =	sadd.s32 $0x17318, s5;
	s23 =	sadd.s32 $0x280, s23  }
0x7d: {  	[tilespmem:s24], [sflag:$0x2] =	stream.indirect.gather [hbm4b:s1+s21], $0x80, s5, s21, $0xb8;
	[tilespmem:$0x1ECA8] =	vst v63  }
.LBB2_7:
0x7e: {  	_ =	sfence.sel $0x180000  }
0x7f: {  	[bflag:$0x0] =	sbarrier.arrive $0xFFFF  }
0x80: {  	_ =	strace $0x90000047  }
0x81: {  	s0 =	stileid.u32;
	[bflag:$0x2] =	sbarrier.arrive $0xFFFF  }
0x82: {  	p0 =	sne.s32 s0, $0x0;
	s0 =	rddreg [dreg:$0x5]  }
0x83: {  	s0 =	sadd.s32 @!p0 $0x100000, s0  }
0x84: {  	[sflag:s0] =	ssyncadd.tile.s32 @!p0 $0x1;
	_ =	shalt  }
.Lfunc_end2:
_tile_overlayer_lowered:
.L_overlay_start_2:
0x85: {  	(tag) =	ssettag $0x2  }
0x86: {  	s0 =	rddreg [dreg:$0x0];
	s2 =	stileid.u32  }
0x87: {  	s1 =	rddreg [dreg:$0x1];
	p0 =	sne.s32 s2, $0x0  }
0x88: {  	s3 =	rddreg [dreg:$0x2];
	[bflag:$0x3] =	sbarrier.arrive $0xFFFF;
	s2 =	simm.s32 @!p0 $0x1C06  }
0x89: {  	[timem:s3], [sflag:s2] =	dma.local @!p0 [hbm:s0], s1  }
0x8a: {  	s0 =	simm.s32 @!p0 $0x6  }
0x8b: {  	_ =	swait.ge @!p0 [sflag:s0], s1  }
0x8c: {  	s1 =	ssub.s32 @!p0 $0x0, s1;
	[sflag:s0] =	ssyncset.done @!p0 $0x0  }
0x8d: {  	[sflag:s0] =	ssyncadd.s32 @!p0 s1  }
0x8e: {  	[bflag:$0x3] =	sbarrier.arrive $0xFFFF  }
0x8f: {  	_ =	shalt  }

</sc_bundles>
